<compile_context>
chip_gen: v7x
topology: tpu7x:2x2x1
jax: 0.10.2.dev20260603
libtpu: 0.0.44.dev20260713+nightly
codegen_flags: <defaults>
</compile_context>

<pallas_src>
import functools

import jax
import jax.numpy as jnp
from jax import lax
from jax.experimental import pallas as pl
from jax.experimental.pallas import tpu as pltpu
from jax.experimental.pallas import tpu_sc as plsc

N_EXPERTS = 8
D = 1024
N = 4096
N_BITS = 3

BM = 256
NB = N // BM
T = NB + N_EXPERTS - 1

NW = 32
RPW = N // NW
SB = 64
NSB = RPW // SB


def _route_body(z_ref, rp_ref, dest_ref, cnt_ref, work):
    xdot = functools.partial(jnp.dot, precision=jax.lax.Precision.HIGHEST,
                             preferred_element_type=jnp.float32)
    s = jnp.dot(z_ref[...], rp_ref[...], preferred_element_type=jnp.float32)
    lane = lax.broadcasted_iota(jnp.int32, (N, 128), 1)
    row = lax.broadcasted_iota(jnp.int32, (N, 128), 0)
    pw = jnp.where(lane < N_BITS, jnp.left_shift(1, lane), 0)
    idxv = jnp.sum(jnp.where(s > 0.0, pw, 0), axis=1, keepdims=True)
    onehot = (lane == idxv).astype(jnp.float32)

    g_r = lax.broadcasted_iota(jnp.int32, (32, N), 0)
    t_c = lax.broadcasted_iota(jnp.int32, (32, N), 1)
    gmat = (t_c // 128 == g_r).astype(jnp.float32)
    gsum = jnp.dot(gmat, onehot, preferred_element_type=jnp.float32)
    r32 = lax.broadcasted_iota(jnp.int32, (32, 32), 0)
    c32 = lax.broadcasted_iota(jnp.int32, (32, 32), 1)
    gpre = xdot((c32 < r32).astype(jnp.float32), gsum)
    r_g = lax.broadcasted_iota(jnp.int32, (N, 32), 0)
    c_g = lax.broadcasted_iota(jnp.int32, (N, 32), 1)
    gsel = (r_g // 128 == c_g).astype(jnp.float32)
    pre_full = xdot(gsel, gpre)

    r128 = lax.broadcasted_iota(jnp.int32, (128, 128), 0)
    c128 = lax.broadcasted_iota(jnp.int32, (128, 128), 1)
    tril = (c128 < r128).astype(jnp.float32)
    for g in range(32):
        work[g * 128:(g + 1) * 128, :] = jnp.dot(
            tril, onehot[g * 128:(g + 1) * 128, :],
            preferred_element_type=jnp.float32)
    rank = jnp.sum(onehot * (work[...] + pre_full), axis=1, keepdims=True)

    counts = jnp.dot(jnp.ones((1, 32), jnp.float32), gsum,
                     preferred_element_type=jnp.float32)
    starts_row = xdot(counts, (r128 < c128).astype(jnp.float32))
    start_sel = jnp.sum(onehot * starts_row, axis=1, keepdims=True)
    dest = rank + start_sel

    lsel = (lane == row % 128).astype(jnp.float32)
    dest_ref[...] = xdot(gmat, dest * lsel).astype(jnp.int32)
    cnt_ref[...] = counts.astype(jnp.int32)


def _route(z, rp):
    return pl.pallas_call(
        _route_body,
        in_specs=[
            pl.BlockSpec((N, D), lambda: (0, 0)),
            pl.BlockSpec((D, 128), lambda: (0, 0)),
        ],
        out_specs=[
            pl.BlockSpec((32, 128), lambda: (0, 0)),
            pl.BlockSpec((1, 128), lambda: (0, 0)),
        ],
        out_shape=[
            jax.ShapeDtypeStruct((32, 128), jnp.int32),
            jax.ShapeDtypeStruct((1, 128), jnp.int32),
        ],
        scratch_shapes=[pltpu.VMEM((N, 128), jnp.float32)],
    )(z, rp)


def _work_lists(counts):
    starts9 = jnp.concatenate(
        [jnp.zeros((1,), jnp.int32), jnp.cumsum(counts)]).astype(jnp.int32)
    lo, hi = starts9[:-1], starts9[1:]
    bkr = jnp.arange(NB, dtype=jnp.int32)[None, :]
    ov = (hi[:, None] > bkr * BM) & (lo[:, None] < (bkr + 1) * BM) \
        & (hi[:, None] > lo[:, None])
    ovf = ov.reshape(-1)
    pos = jnp.cumsum(ovf.astype(jnp.int32)) - 1
    nreal = jnp.sum(ovf.astype(jnp.int32))
    tgt = jnp.where(ovf, pos, T)
    e_flat = jnp.broadcast_to(
        jnp.arange(N_EXPERTS, dtype=jnp.int32)[:, None], (N_EXPERTS, NB)
    ).reshape(-1)
    bk_flat = jnp.broadcast_to(bkr, (N_EXPERTS, NB)).reshape(-1)
    first_flat = (ov & (jnp.cumsum(ov.astype(jnp.int32), axis=0) == 1)) \
        .astype(jnp.int32).reshape(-1)
    blk_sc = jnp.zeros((T + 1,), jnp.int32).at[tgt].set(bk_flat, mode="drop")[:T]
    exp_sc = jnp.zeros((T + 1,), jnp.int32).at[tgt].set(e_flat, mode="drop")[:T]
    fst_sc = jnp.zeros((T + 1,), jnp.int32).at[tgt].set(first_flat, mode="drop")[:T]
    slot = jnp.arange(T, dtype=jnp.int32)
    valid = (slot < nreal).astype(jnp.int32)
    blk = jnp.where(slot < nreal, blk_sc, NB - 1)
    last_e = jnp.max(jnp.where(counts > 0, jnp.arange(N_EXPERTS, dtype=jnp.int32), 0))
    exp = jnp.where(slot < nreal, exp_sc, last_e)
    return starts9, blk, exp, valid, fst_sc


def _gmm_body(starts_s, blk_s, exp_s, valid_s, first_s,
              zs_ref, w_ref, b_ref, out_ref):
    t = pl.program_id(0)
    e = exp_s[t]
    lo = starts_s[e]
    hi = starts_s[e + 1]
    rows = blk_s[t] * BM + lax.broadcasted_iota(jnp.int32, (BM, 1), 0)
    mask = (rows >= lo) & (rows < hi) & (valid_s[t] > 0)
    y = jnp.dot(
        zs_ref[...].astype(jnp.bfloat16), w_ref[0],
        preferred_element_type=jnp.float32,
    ) + b_ref[0]
    contrib = jnp.where(mask, y, 0.0)

    @pl.when(first_s[t] == 1)
    def _():
        out_ref[...] = contrib

    @pl.when(first_s[t] == 0)
    def _():
        out_ref[...] += contrib


def _gmm(starts9, blk, exp, valid, first, zs, W, b3):
    grid_spec = pltpu.PrefetchScalarGridSpec(
        num_scalar_prefetch=5,
        grid=(T,),
        in_specs=[
            pl.BlockSpec((BM, D), lambda t, st, bk, ex, va, fi: (bk[t], 0)),
            pl.BlockSpec((1, D, D), lambda t, st, bk, ex, va, fi: (ex[t], 0, 0)),
            pl.BlockSpec((1, 1, D), lambda t, st, bk, ex, va, fi: (ex[t], 0, 0)),
        ],
        out_specs=pl.BlockSpec((BM, D), lambda t, st, bk, ex, va, fi: (bk[t], 0)),
    )
    return pl.pallas_call(
        _gmm_body,
        grid_spec=grid_spec,
        out_shape=jax.ShapeDtypeStruct((N, D), jnp.float32),
    )(starts9, blk, exp, valid, first, zs, W, b3)


@functools.lru_cache(maxsize=1)
def _sc_kernels():
    mesh = plsc.VectorSubcoreMesh(core_axis_name="c", subcore_axis_name="s")

    def load_batch(idx_all, idx_b, j):
        for k in range(SB // 16):
            idx_b[k * 16:(k + 1) * 16] = idx_all[j * SB + k * 16:
                                                 j * SB + (k + 1) * 16]

    @functools.partial(
        pl.kernel,
        mesh=mesh,
        out_type=jax.ShapeDtypeStruct((N, D), jnp.float32),
        scratch_types=[
            pltpu.VMEM((RPW,), jnp.int32),
            pltpu.VMEM((SB,), jnp.int32),
            pltpu.VMEM((SB, D), jnp.float32),
            pltpu.SemaphoreType.DMA,
        ],
    )
    def sc_dispatch(z_hbm, d2_hbm, zs_hbm, idx_all, idx_b, rows_v, sem):
        wid = lax.axis_index("s") * 2 + lax.axis_index("c")
        base = wid * RPW
        pltpu.sync_copy(d2_hbm.at[wid], idx_all)
        for j in range(NSB):
            load_batch(idx_all, idx_b, j)
            pltpu.sync_copy(z_hbm.at[pl.ds(base + j * SB, SB)], rows_v)
            pltpu.async_copy(rows_v, zs_hbm.at[idx_b], sem).wait()

    @functools.partial(
        pl.kernel,
        mesh=mesh,
        out_type=jax.ShapeDtypeStruct((N, D), jnp.float32),
        scratch_types=[
            pltpu.VMEM((RPW,), jnp.int32),
            pltpu.VMEM((SB,), jnp.int32),
            pltpu.VMEM((SB, D), jnp.float32),
            pltpu.SemaphoreType.DMA,
        ],
    )
    def sc_combine(ys_hbm, d2_hbm, out_hbm, idx_all, idx_b, rows_v, sem):
        wid = lax.axis_index("s") * 2 + lax.axis_index("c")
        base = wid * RPW
        pltpu.sync_copy(d2_hbm.at[wid], idx_all)
        for j in range(NSB):
            load_batch(idx_all, idx_b, j)
            pltpu.async_copy(ys_hbm.at[idx_b], rows_v, sem).wait()
            pltpu.sync_copy(rows_v, out_hbm.at[pl.ds(base + j * SB, SB)])

    return sc_dispatch, sc_combine


@jax.jit
def kernel(z, R, W, b):
    rp = jnp.zeros((D, 128), jnp.float32).at[:, :N_BITS].set(R)
    dest2d, cnts = _route(z, rp)
    counts = cnts[0, :N_EXPERTS]
    starts9, blk, exp, valid, first = _work_lists(counts)
    sc_dispatch, sc_combine = _sc_kernels()
    zs = sc_dispatch(z, dest2d)
    ys = _gmm(starts9, blk, exp, valid, first, zs,
              W.astype(jnp.bfloat16), b.reshape(N_EXPERTS, 1, D))
    return sc_combine(ys, dest2d)

# --- scband reference (transcript-rebuilt; emitter-appended) ---
"""Pipeline reference for scband-stochastic-ensemble-83648783056939 (READ-ONLY COPY).

The authoritative reference and input builder live on the scoring server;
editing this copy changes nothing except your own understanding.
"""

import jax, jax.numpy as jnp
import numpy as np

N_EXPERTS = 8
D_MODEL = 1024
N_TOKENS = 4096
N_BITS = 3  # 2**3 == N_EXPERTS


def hash_vectors(z, R, n):
    # LSH-style hash: sign bits of random projections packed into an integer expert id in [0, n)
    bits = (z @ R) > 0.0
    powers = 2 ** jnp.arange(R.shape[1], dtype=jnp.int32)
    idx = jnp.sum(bits.astype(jnp.int32) * powers, axis=1) % n
    return idx


def setup_inputs(seed: int = 0) -> dict:
    key = jax.random.key(seed)
    k1, k2, k3 = jax.random.split(key, 3)
    z = jax.random.normal(k1, (N_TOKENS, D_MODEL), dtype=jnp.float32)
    # hash projection matrix (fixed routing parameter)
    R = jax.random.normal(k2, (D_MODEL, N_BITS), dtype=jnp.float32)
    # n independently re-initialized copies of the base Linear(D_MODEL, D_MODEL)
    W = jax.random.normal(k3, (N_EXPERTS, D_MODEL, D_MODEL), dtype=jnp.float32) * 0.02
    b = jnp.zeros((N_EXPERTS, D_MODEL), dtype=jnp.float32)
    return {"z": z, "R": R, "W": W, "b": b}


def reference(z, R, W, b):
    # idx[i] selects which ensemble member processes row i, as in
    # torch.cat([self.models[c](z[i].unsqueeze(0)) for i, c in enumerate(idx)], dim=0)
    idx = hash_vectors(z, R, N_EXPERTS)
    out = jnp.zeros((z.shape[0], D_MODEL), dtype=z.dtype)
    for e in range(N_EXPERTS):
        mask = (idx == e).astype(z.dtype)[:, None]
        y_e = z @ W[e] + b[e]
        out = out + mask * y_e
    return out

if __name__ == "__main__":
    import jax
    _d = setup_inputs()
    print(jax.jit(kernel)(*tuple(_d.values())))

</pallas_src>

<mosaic_0001>
#map = affine_map<(d0, d1) -> (0, 0)>
module attributes {stable_mosaic.version = 14 : i64} {
  func.func @sc_combine(%arg0: i32, %arg1: i32, %arg2: memref<4096x1024xf32, #tpu.memory_space<hbm>>, %arg3: memref<32x128xi32, #tpu.memory_space<hbm>>, %arg4: memref<4096x1024xf32, #tpu.memory_space<hbm>>, %arg5: memref<128xi32, #tpu.memory_space<vmem>>, %arg6: memref<64xi32, #tpu.memory_space<vmem>>, %arg7: memref<64x1024xf32, #tpu.memory_space<vmem>>, %arg8: memref<!tpu.dma_semaphore, #tpu.memory_space<semaphore_mem>>) attributes {dimension_semantics = [#tpu.dimension_semantics<core_parallel>, #tpu.dimension_semantics<subcore_parallel>], iteration_bounds = array<i64: 2, 16>, scalar_prefetch = 0 : i64, scratch_operands = 4 : i64, tpu.core_type = #tpu.core_type<sc_vector_subcore>, window_params = [{transform_indices = #map}, {transform_indices = #map}, {transform_indices = #map}]} {
    %mul3A = arith.constant 2 : i32
    %mul3A_0 = arith.muli %arg1, %mul3A : i32
    %add3A = arith.addi %mul3A_0, %arg0 : i32
    %mul3A_1 = arith.constant 128 : i32
    %mul3A_2 = arith.muli %add3A, %mul3A_1 : i32
    "tpu.region"() ({
      %run_scoped3A = tpu.sem_alloc : memref<!tpu.dma_semaphore, #tpu.memory_space<semaphore_mem>>
      %dma_start3A_71 = arith.constant 0 : i32
      %dma_start3A_72 = tpu.memref_slice %arg3[%add3A, %dma_start3A_71] : memref<32x128xi32, #tpu.memory_space<hbm>> -> memref<1x128xi32, #tpu.memory_space<hbm>>
      %dma_start3A_73 = tpu.memref_squeeze %dma_start3A_72 : memref<1x128xi32, #tpu.memory_space<hbm>> -> memref<128xi32, #tpu.memory_space<hbm>>
      %dma_start3A_74 = arith.constant 0 : i32
      %dma_start3A_75 = tpu.memref_slice %arg3[%add3A, %dma_start3A_74] : memref<32x128xi32, #tpu.memory_space<hbm>> -> memref<1x128xi32, #tpu.memory_space<hbm>>
      %dma_start3A_76 = tpu.memref_squeeze %dma_start3A_75 : memref<1x128xi32, #tpu.memory_space<hbm>> -> memref<128xi32, #tpu.memory_space<hbm>>
      tpu.enqueue_dma source(%dma_start3A_76 : memref<128xi32, #tpu.memory_space<hbm>>) target(%arg5 : memref<128xi32, #tpu.memory_space<vmem>>) target_semaphore(%run_scoped3A : memref<!tpu.dma_semaphore, #tpu.memory_space<semaphore_mem>>)
      %dma_wait3A_77 = arith.constant 0 : i32
      %dma_wait3A_78 = tpu.memref_slice %arg3[%add3A, %dma_wait3A_77] : memref<32x128xi32, #tpu.memory_space<hbm>> -> memref<1x128xi32, #tpu.memory_space<hbm>>
      %dma_wait3A_79 = tpu.memref_squeeze %dma_wait3A_78 : memref<1x128xi32, #tpu.memory_space<hbm>> -> memref<128xi32, #tpu.memory_space<hbm>>
      %dma_wait3A_80 = arith.constant 0 : i32
      %dma_wait3A_81 = tpu.memref_slice %arg3[%add3A, %dma_wait3A_80] : memref<32x128xi32, #tpu.memory_space<hbm>> -> memref<1x128xi32, #tpu.memory_space<hbm>>
      %dma_wait3A_82 = tpu.memref_squeeze %dma_wait3A_81 : memref<1x128xi32, #tpu.memory_space<hbm>> -> memref<128xi32, #tpu.memory_space<hbm>>
      tpu.wait_dma2 semaphore(%run_scoped3A : memref<!tpu.dma_semaphore, #tpu.memory_space<semaphore_mem>>) src(%dma_wait3A_82 : memref<128xi32, #tpu.memory_space<hbm>>) dst(%arg5 : memref<128xi32, #tpu.memory_space<vmem>>)
      tpu.yield
    }) : () -> ()
    %get3A = arith.constant 0 : index
    %get3A_3 = tpu.vector_load %arg5[%get3A] {strides = array<i32>} : memref<128xi32, #tpu.memory_space<vmem>>, vector<16xi32>,
    %get3A_4 = vector.shape_cast %get3A_3 : vector<16xi32> to vector<16xi32>
    %swap3A = arith.constant 0 : index
    %swap3A_5 = tpu.vector_load %arg6[%swap3A] {strides = array<i32>} : memref<64xi32, #tpu.memory_space<vmem>>, vector<16xi32>,
    %swap3A_6 = vector.shape_cast %swap3A_5 : vector<16xi32> to vector<16xi32>
    %swap3A_7 = vector.shape_cast %get3A_4 : vector<16xi32> to vector<16xi32>
    tpu.vector_store %arg6[%swap3A], %swap3A_7 {strides = array<i32>} : memref<64xi32, #tpu.memory_space<vmem>>, vector<16xi32>,
    %get3A_8 = arith.constant 16 : index
    %get3A_9 = tpu.vector_load %arg5[%get3A_8] {strides = array<i32>} : memref<128xi32, #tpu.memory_space<vmem>>, vector<16xi32>,
    %get3A_10 = vector.shape_cast %get3A_9 : vector<16xi32> to vector<16xi32>
    %swap3A_11 = arith.constant 16 : index
    %swap3A_12 = tpu.vector_load %arg6[%swap3A_11] {strides = array<i32>} : memref<64xi32, #tpu.memory_space<vmem>>, vector<16xi32>,
    %swap3A_13 = vector.shape_cast %swap3A_12 : vector<16xi32> to vector<16xi32>
    %swap3A_14 = vector.shape_cast %get3A_10 : vector<16xi32> to vector<16xi32>
    tpu.vector_store %arg6[%swap3A_11], %swap3A_14 {strides = array<i32>} : memref<64xi32, #tpu.memory_space<vmem>>, vector<16xi32>,
    %get3A_15 = arith.constant 32 : index
    %get3A_16 = tpu.vector_load %arg5[%get3A_15] {strides = array<i32>} : memref<128xi32, #tpu.memory_space<vmem>>, vector<16xi32>,
    %get3A_17 = vector.shape_cast %get3A_16 : vector<16xi32> to vector<16xi32>
    %swap3A_18 = arith.constant 32 : index
    %swap3A_19 = tpu.vector_load %arg6[%swap3A_18] {strides = array<i32>} : memref<64xi32, #tpu.memory_space<vmem>>, vector<16xi32>,
    %swap3A_20 = vector.shape_cast %swap3A_19 : vector<16xi32> to vector<16xi32>
    %swap3A_21 = vector.shape_cast %get3A_17 : vector<16xi32> to vector<16xi32>
    tpu.vector_store %arg6[%swap3A_18], %swap3A_21 {strides = array<i32>} : memref<64xi32, #tpu.memory_space<vmem>>, vector<16xi32>,
    %get3A_22 = arith.constant 48 : index
    %get3A_23 = tpu.vector_load %arg5[%get3A_22] {strides = array<i32>} : memref<128xi32, #tpu.memory_space<vmem>>, vector<16xi32>,
    %get3A_24 = vector.shape_cast %get3A_23 : vector<16xi32> to vector<16xi32>
    %swap3A_25 = arith.constant 48 : index
    %swap3A_26 = tpu.vector_load %arg6[%swap3A_25] {strides = array<i32>} : memref<64xi32, #tpu.memory_space<vmem>>, vector<16xi32>,
    %swap3A_27 = vector.shape_cast %swap3A_26 : vector<16xi32> to vector<16xi32>
    %swap3A_28 = vector.shape_cast %get3A_24 : vector<16xi32> to vector<16xi32>
    tpu.vector_store %arg6[%swap3A_25], %swap3A_28 {strides = array<i32>} : memref<64xi32, #tpu.memory_space<vmem>>, vector<16xi32>,
    %dma_start3A = arith.constant 0 : i32
    %dma_start3A_29 = arith.constant 0 : i32
    %dma_start3A_30 = tpu.memref_slice %arg2[%dma_start3A, %dma_start3A_29] : memref<4096x1024xf32, #tpu.memory_space<hbm>> -> memref<4096x1024xf32, #tpu.memory_space<hbm>>
    tpu.enqueue_indirect_dma source(%dma_start3A_30 : memref<4096x1024xf32, #tpu.memory_space<hbm>>) target(%arg7 : memref<64x1024xf32, #tpu.memory_space<vmem>>) offsets(%arg6 : memref<64xi32, #tpu.memory_space<vmem>>) semaphore(%arg8 : memref<!tpu.dma_semaphore, #tpu.memory_space<semaphore_mem>>)
    %dma_wait3A = arith.constant 0 : i32
    %dma_wait3A_31 = arith.constant 0 : i32
    %dma_wait3A_32 = tpu.memref_slice %arg2[%dma_wait3A, %dma_wait3A_31] : memref<4096x1024xf32, #tpu.memory_space<hbm>> -> memref<4096x1024xf32, #tpu.memory_space<hbm>>
    tpu.wait_indirect_dma semaphore(%arg8 : memref<!tpu.dma_semaphore, #tpu.memory_space<semaphore_mem>>) src(%dma_wait3A_32 : memref<4096x1024xf32, #tpu.memory_space<hbm>>) dst(%arg7 : memref<64x1024xf32, #tpu.memory_space<vmem>>)
    %add3A_33 = arith.constant 0 : i32
    %add3A_34 = arith.addi %mul3A_2, %add3A_33 : i32
    "tpu.region"() ({
      %run_scoped3A = tpu.sem_alloc : memref<!tpu.dma_semaphore, #tpu.memory_space<semaphore_mem>>
      %dma_start3A_71 = arith.constant 0 : i32
      %dma_start3A_72 = tpu.memref_slice %arg4[%add3A_34, %dma_start3A_71] : memref<4096x1024xf32, #tpu.memory_space<hbm>> -> memref<64x1024xf32, #tpu.memory_space<hbm>>
      %dma_start3A_73 = arith.constant 0 : i32
      %dma_start3A_74 = tpu.memref_slice %arg4[%add3A_34, %dma_start3A_73] : memref<4096x1024xf32, #tpu.memory_space<hbm>> -> memref<64x1024xf32, #tpu.memory_space<hbm>>
      tpu.enqueue_dma source(%arg7 : memref<64x1024xf32, #tpu.memory_space<vmem>>) target(%dma_start3A_74 : memref<64x1024xf32, #tpu.memory_space<hbm>>) target_semaphore(%run_scoped3A : memref<!tpu.dma_semaphore, #tpu.memory_space<semaphore_mem>>)
      %dma_wait3A_75 = arith.constant 0 : i32
      %dma_wait3A_76 = tpu.memref_slice %arg4[%add3A_34, %dma_wait3A_75] : memref<4096x1024xf32, #tpu.memory_space<hbm>> -> memref<64x1024xf32, #tpu.memory_space<hbm>>
      %dma_wait3A_77 = arith.constant 0 : i32
      %dma_wait3A_78 = tpu.memref_slice %arg4[%add3A_34, %dma_wait3A_77] : memref<4096x1024xf32, #tpu.memory_space<hbm>> -> memref<64x1024xf32, #tpu.memory_space<hbm>>
      tpu.wait_dma2 semaphore(%run_scoped3A : memref<!tpu.dma_semaphore, #tpu.memory_space<semaphore_mem>>) src(%arg7 : memref<64x1024xf32, #tpu.memory_space<vmem>>) dst(%dma_wait3A_78 : memref<64x1024xf32, #tpu.memory_space<hbm>>)
      tpu.yield
    }) : () -> ()
    %get3A_35 = arith.constant 64 : index
    %get3A_36 = tpu.vector_load %arg5[%get3A_35] {strides = array<i32>} : memref<128xi32, #tpu.memory_space<vmem>>, vector<16xi32>,
    %get3A_37 = vector.shape_cast %get3A_36 : vector<16xi32> to vector<16xi32>
    %swap3A_38 = arith.constant 0 : index
    %swap3A_39 = tpu.vector_load %arg6[%swap3A_38] {strides = array<i32>} : memref<64xi32, #tpu.memory_space<vmem>>, vector<16xi32>,
    %swap3A_40 = vector.shape_cast %swap3A_39 : vector<16xi32> to vector<16xi32>
    %swap3A_41 = vector.shape_cast %get3A_37 : vector<16xi32> to vector<16xi32>
    tpu.vector_store %arg6[%swap3A_38], %swap3A_41 {strides = array<i32>} : memref<64xi32, #tpu.memory_space<vmem>>, vector<16xi32>,
    %get3A_42 = arith.constant 80 : index
    %get3A_43 = tpu.vector_load %arg5[%get3A_42] {strides = array<i32>} : memref<128xi32, #tpu.memory_space<vmem>>, vector<16xi32>,
    %get3A_44 = vector.shape_cast %get3A_43 : vector<16xi32> to vector<16xi32>
    %swap3A_45 = arith.constant 16 : index
    %swap3A_46 = tpu.vector_load %arg6[%swap3A_45] {strides = array<i32>} : memref<64xi32, #tpu.memory_space<vmem>>, vector<16xi32>,
    %swap3A_47 = vector.shape_cast %swap3A_46 : vector<16xi32> to vector<16xi32>
    %swap3A_48 = vector.shape_cast %get3A_44 : vector<16xi32> to vector<16xi32>
    tpu.vector_store %arg6[%swap3A_45], %swap3A_48 {strides = array<i32>} : memref<64xi32, #tpu.memory_space<vmem>>, vector<16xi32>,
    %get3A_49 = arith.constant 96 : index
    %get3A_50 = tpu.vector_load %arg5[%get3A_49] {strides = array<i32>} : memref<128xi32, #tpu.memory_space<vmem>>, vector<16xi32>,
    %get3A_51 = vector.shape_cast %get3A_50 : vector<16xi32> to vector<16xi32>
    %swap3A_52 = arith.constant 32 : index
    %swap3A_53 = tpu.vector_load %arg6[%swap3A_52] {strides = array<i32>} : memref<64xi32, #tpu.memory_space<vmem>>, vector<16xi32>,
    %swap3A_54 = vector.shape_cast %swap3A_53 : vector<16xi32> to vector<16xi32>
    %swap3A_55 = vector.shape_cast %get3A_51 : vector<16xi32> to vector<16xi32>
    tpu.vector_store %arg6[%swap3A_52], %swap3A_55 {strides = array<i32>} : memref<64xi32, #tpu.memory_space<vmem>>, vector<16xi32>,
    %get3A_56 = arith.constant 112 : index
    %get3A_57 = tpu.vector_load %arg5[%get3A_56] {strides = array<i32>} : memref<128xi32, #tpu.memory_space<vmem>>, vector<16xi32>,
    %get3A_58 = vector.shape_cast %get3A_57 : vector<16xi32> to vector<16xi32>
    %swap3A_59 = arith.constant 48 : index
    %swap3A_60 = tpu.vector_load %arg6[%swap3A_59] {strides = array<i32>} : memref<64xi32, #tpu.memory_space<vmem>>, vector<16xi32>,
    %swap3A_61 = vector.shape_cast %swap3A_60 : vector<16xi32> to vector<16xi32>
    %swap3A_62 = vector.shape_cast %get3A_58 : vector<16xi32> to vector<16xi32>
    tpu.vector_store %arg6[%swap3A_59], %swap3A_62 {strides = array<i32>} : memref<64xi32, #tpu.memory_space<vmem>>, vector<16xi32>,
    %dma_start3A_63 = arith.constant 0 : i32
    %dma_start3A_64 = arith.constant 0 : i32
    %dma_start3A_65 = tpu.memref_slice %arg2[%dma_start3A_63, %dma_start3A_64] : memref<4096x1024xf32, #tpu.memory_space<hbm>> -> memref<4096x1024xf32, #tpu.memory_space<hbm>>
    tpu.enqueue_indirect_dma source(%dma_start3A_65 : memref<4096x1024xf32, #tpu.memory_space<hbm>>) target(%arg7 : memref<64x1024xf32, #tpu.memory_space<vmem>>) offsets(%arg6 : memref<64xi32, #tpu.memory_space<vmem>>) semaphore(%arg8 : memref<!tpu.dma_semaphore, #tpu.memory_space<semaphore_mem>>)
    %dma_wait3A_66 = arith.constant 0 : i32
    %dma_wait3A_67 = arith.constant 0 : i32
    %dma_wait3A_68 = tpu.memref_slice %arg2[%dma_wait3A_66, %dma_wait3A_67] : memref<4096x1024xf32, #tpu.memory_space<hbm>> -> memref<4096x1024xf32, #tpu.memory_space<hbm>>
    tpu.wait_indirect_dma semaphore(%arg8 : memref<!tpu.dma_semaphore, #tpu.memory_space<semaphore_mem>>) src(%dma_wait3A_68 : memref<4096x1024xf32, #tpu.memory_space<hbm>>) dst(%arg7 : memref<64x1024xf32, #tpu.memory_space<vmem>>)
    %add3A_69 = arith.constant 64 : i32
    %add3A_70 = arith.addi %mul3A_2, %add3A_69 : i32
    "tpu.region"() ({
      %run_scoped3A = tpu.sem_alloc : memref<!tpu.dma_semaphore, #tpu.memory_space<semaphore_mem>>
      %dma_start3A_71 = arith.constant 0 : i32
      %dma_start3A_72 = tpu.memref_slice %arg4[%add3A_70, %dma_start3A_71] : memref<4096x1024xf32, #tpu.memory_space<hbm>> -> memref<64x1024xf32, #tpu.memory_space<hbm>>
      %dma_start3A_73 = arith.constant 0 : i32
      %dma_start3A_74 = tpu.memref_slice %arg4[%add3A_70, %dma_start3A_73] : memref<4096x1024xf32, #tpu.memory_space<hbm>> -> memref<64x1024xf32, #tpu.memory_space<hbm>>
      tpu.enqueue_dma source(%arg7 : memref<64x1024xf32, #tpu.memory_space<vmem>>) target(%dma_start3A_74 : memref<64x1024xf32, #tpu.memory_space<hbm>>) target_semaphore(%run_scoped3A : memref<!tpu.dma_semaphore, #tpu.memory_space<semaphore_mem>>)
      %dma_wait3A_75 = arith.constant 0 : i32
      %dma_wait3A_76 = tpu.memref_slice %arg4[%add3A_70, %dma_wait3A_75] : memref<4096x1024xf32, #tpu.memory_space<hbm>> -> memref<64x1024xf32, #tpu.memory_space<hbm>>
      %dma_wait3A_77 = arith.constant 0 : i32
      %dma_wait3A_78 = tpu.memref_slice %arg4[%add3A_70, %dma_wait3A_77] : memref<4096x1024xf32, #tpu.memory_space<hbm>> -> memref<64x1024xf32, #tpu.memory_space<hbm>>
      tpu.wait_dma2 semaphore(%run_scoped3A : memref<!tpu.dma_semaphore, #tpu.memory_space<semaphore_mem>>) src(%arg7 : memref<64x1024xf32, #tpu.memory_space<vmem>>) dst(%dma_wait3A_78 : memref<64x1024xf32, #tpu.memory_space<hbm>>)
      tpu.yield
    }) : () -> ()
    return
  }
}

#map = affine_map<(d0, d1) -> (0, 0)>
module attributes {stable_mosaic.version = 14 : i64} {
  func.func @sc_dispatch(%arg0: i32, %arg1: i32, %arg2: memref<4096x1024xf32, #tpu.memory_space<hbm>>, %arg3: memref<32x128xi32, #tpu.memory_space<hbm>>, %arg4: memref<4096x1024xf32, #tpu.memory_space<hbm>>, %arg5: memref<128xi32, #tpu.memory_space<vmem>>, %arg6: memref<64xi32, #tpu.memory_space<vmem>>, %arg7: memref<64x1024xf32, #tpu.memory_space<vmem>>, %arg8: memref<!tpu.dma_semaphore, #tpu.memory_space<semaphore_mem>>) attributes {dimension_semantics = [#tpu.dimension_semantics<core_parallel>, #tpu.dimension_semantics<subcore_parallel>], iteration_bounds = array<i64: 2, 16>, scalar_prefetch = 0 : i64, scratch_operands = 4 : i64, tpu.core_type = #tpu.core_type<sc_vector_subcore>, window_params = [{transform_indices = #map}, {transform_indices = #map}, {transform_indices = #map}]} {
    %mul3A = arith.constant 2 : i32
    %mul3A_0 = arith.muli %arg1, %mul3A : i32
    %add3A = arith.addi %mul3A_0, %arg0 : i32
    %mul3A_1 = arith.constant 128 : i32
    %mul3A_2 = arith.muli %add3A, %mul3A_1 : i32
    "tpu.region"() ({
      %run_scoped3A = tpu.sem_alloc : memref<!tpu.dma_semaphore, #tpu.memory_space<semaphore_mem>>
      %dma_start3A_71 = arith.constant 0 : i32
      %dma_start3A_72 = tpu.memref_slice %arg3[%add3A, %dma_start3A_71] : memref<32x128xi32, #tpu.memory_space<hbm>> -> memref<1x128xi32, #tpu.memory_space<hbm>>
      %dma_start3A_73 = tpu.memref_squeeze %dma_start3A_72 : memref<1x128xi32, #tpu.memory_space<hbm>> -> memref<128xi32, #tpu.memory_space<hbm>>
      %dma_start3A_74 = arith.constant 0 : i32
      %dma_start3A_75 = tpu.memref_slice %arg3[%add3A, %dma_start3A_74] : memref<32x128xi32, #tpu.memory_space<hbm>> -> memref<1x128xi32, #tpu.memory_space<hbm>>
      %dma_start3A_76 = tpu.memref_squeeze %dma_start3A_75 : memref<1x128xi32, #tpu.memory_space<hbm>> -> memref<128xi32, #tpu.memory_space<hbm>>
      tpu.enqueue_dma source(%dma_start3A_76 : memref<128xi32, #tpu.memory_space<hbm>>) target(%arg5 : memref<128xi32, #tpu.memory_space<vmem>>) target_semaphore(%run_scoped3A : memref<!tpu.dma_semaphore, #tpu.memory_space<semaphore_mem>>)
      %dma_wait3A_77 = arith.constant 0 : i32
      %dma_wait3A_78 = tpu.memref_slice %arg3[%add3A, %dma_wait3A_77] : memref<32x128xi32, #tpu.memory_space<hbm>> -> memref<1x128xi32, #tpu.memory_space<hbm>>
      %dma_wait3A_79 = tpu.memref_squeeze %dma_wait3A_78 : memref<1x128xi32, #tpu.memory_space<hbm>> -> memref<128xi32, #tpu.memory_space<hbm>>
      %dma_wait3A_80 = arith.constant 0 : i32
      %dma_wait3A_81 = tpu.memref_slice %arg3[%add3A, %dma_wait3A_80] : memref<32x128xi32, #tpu.memory_space<hbm>> -> memref<1x128xi32, #tpu.memory_space<hbm>>
      %dma_wait3A_82 = tpu.memref_squeeze %dma_wait3A_81 : memref<1x128xi32, #tpu.memory_space<hbm>> -> memref<128xi32, #tpu.memory_space<hbm>>
      tpu.wait_dma2 semaphore(%run_scoped3A : memref<!tpu.dma_semaphore, #tpu.memory_space<semaphore_mem>>) src(%dma_wait3A_82 : memref<128xi32, #tpu.memory_space<hbm>>) dst(%arg5 : memref<128xi32, #tpu.memory_space<vmem>>)
      tpu.yield
    }) : () -> ()
    %get3A = arith.constant 0 : index
    %get3A_3 = tpu.vector_load %arg5[%get3A] {strides = array<i32>} : memref<128xi32, #tpu.memory_space<vmem>>, vector<16xi32>,
    %get3A_4 = vector.shape_cast %get3A_3 : vector<16xi32> to vector<16xi32>
    %swap3A = arith.constant 0 : index
    %swap3A_5 = tpu.vector_load %arg6[%swap3A] {strides = array<i32>} : memref<64xi32, #tpu.memory_space<vmem>>, vector<16xi32>,
    %swap3A_6 = vector.shape_cast %swap3A_5 : vector<16xi32> to vector<16xi32>
    %swap3A_7 = vector.shape_cast %get3A_4 : vector<16xi32> to vector<16xi32>
    tpu.vector_store %arg6[%swap3A], %swap3A_7 {strides = array<i32>} : memref<64xi32, #tpu.memory_space<vmem>>, vector<16xi32>,
    %get3A_8 = arith.constant 16 : index
    %get3A_9 = tpu.vector_load %arg5[%get3A_8] {strides = array<i32>} : memref<128xi32, #tpu.memory_space<vmem>>, vector<16xi32>,
    %get3A_10 = vector.shape_cast %get3A_9 : vector<16xi32> to vector<16xi32>
    %swap3A_11 = arith.constant 16 : index
    %swap3A_12 = tpu.vector_load %arg6[%swap3A_11] {strides = array<i32>} : memref<64xi32, #tpu.memory_space<vmem>>, vector<16xi32>,
    %swap3A_13 = vector.shape_cast %swap3A_12 : vector<16xi32> to vector<16xi32>
    %swap3A_14 = vector.shape_cast %get3A_10 : vector<16xi32> to vector<16xi32>
    tpu.vector_store %arg6[%swap3A_11], %swap3A_14 {strides = array<i32>} : memref<64xi32, #tpu.memory_space<vmem>>, vector<16xi32>,
    %get3A_15 = arith.constant 32 : index
    %get3A_16 = tpu.vector_load %arg5[%get3A_15] {strides = array<i32>} : memref<128xi32, #tpu.memory_space<vmem>>, vector<16xi32>,
    %get3A_17 = vector.shape_cast %get3A_16 : vector<16xi32> to vector<16xi32>
    %swap3A_18 = arith.constant 32 : index
    %swap3A_19 = tpu.vector_load %arg6[%swap3A_18] {strides = array<i32>} : memref<64xi32, #tpu.memory_space<vmem>>, vector<16xi32>,
    %swap3A_20 = vector.shape_cast %swap3A_19 : vector<16xi32> to vector<16xi32>
    %swap3A_21 = vector.shape_cast %get3A_17 : vector<16xi32> to vector<16xi32>
    tpu.vector_store %arg6[%swap3A_18], %swap3A_21 {strides = array<i32>} : memref<64xi32, #tpu.memory_space<vmem>>, vector<16xi32>,
    %get3A_22 = arith.constant 48 : index
    %get3A_23 = tpu.vector_load %arg5[%get3A_22] {strides = array<i32>} : memref<128xi32, #tpu.memory_space<vmem>>, vector<16xi32>,
    %get3A_24 = vector.shape_cast %get3A_23 : vector<16xi32> to vector<16xi32>
    %swap3A_25 = arith.constant 48 : index
    %swap3A_26 = tpu.vector_load %arg6[%swap3A_25] {strides = array<i32>} : memref<64xi32, #tpu.memory_space<vmem>>, vector<16xi32>,
    %swap3A_27 = vector.shape_cast %swap3A_26 : vector<16xi32> to vector<16xi32>
    %swap3A_28 = vector.shape_cast %get3A_24 : vector<16xi32> to vector<16xi32>
    tpu.vector_store %arg6[%swap3A_25], %swap3A_28 {strides = array<i32>} : memref<64xi32, #tpu.memory_space<vmem>>, vector<16xi32>,
    %add3A_29 = arith.constant 0 : i32
    %add3A_30 = arith.addi %mul3A_2, %add3A_29 : i32
    "tpu.region"() ({
      %run_scoped3A = tpu.sem_alloc : memref<!tpu.dma_semaphore, #tpu.memory_space<semaphore_mem>>
      %dma_start3A_71 = arith.constant 0 : i32
      %dma_start3A_72 = tpu.memref_slice %arg2[%add3A_30, %dma_start3A_71] : memref<4096x1024xf32, #tpu.memory_space<hbm>> -> memref<64x1024xf32, #tpu.memory_space<hbm>>
      %dma_start3A_73 = arith.constant 0 : i32
      %dma_start3A_74 = tpu.memref_slice %arg2[%add3A_30, %dma_start3A_73] : memref<4096x1024xf32, #tpu.memory_space<hbm>> -> memref<64x1024xf32, #tpu.memory_space<hbm>>
      tpu.enqueue_dma source(%dma_start3A_74 : memref<64x1024xf32, #tpu.memory_space<hbm>>) target(%arg7 : memref<64x1024xf32, #tpu.memory_space<vmem>>) target_semaphore(%run_scoped3A : memref<!tpu.dma_semaphore, #tpu.memory_space<semaphore_mem>>)
      %dma_wait3A_75 = arith.constant 0 : i32
      %dma_wait3A_76 = tpu.memref_slice %arg2[%add3A_30, %dma_wait3A_75] : memref<4096x1024xf32, #tpu.memory_space<hbm>> -> memref<64x1024xf32, #tpu.memory_space<hbm>>
      %dma_wait3A_77 = arith.constant 0 : i32
      %dma_wait3A_78 = tpu.memref_slice %arg2[%add3A_30, %dma_wait3A_77] : memref<4096x1024xf32, #tpu.memory_space<hbm>> -> memref<64x1024xf32, #tpu.memory_space<hbm>>
      tpu.wait_dma2 semaphore(%run_scoped3A : memref<!tpu.dma_semaphore, #tpu.memory_space<semaphore_mem>>) src(%dma_wait3A_78 : memref<64x1024xf32, #tpu.memory_space<hbm>>) dst(%arg7 : memref<64x1024xf32, #tpu.memory_space<vmem>>)
      tpu.yield
    }) : () -> ()
    %dma_start3A = arith.constant 0 : i32
    %dma_start3A_31 = arith.constant 0 : i32
    %dma_start3A_32 = tpu.memref_slice %arg4[%dma_start3A, %dma_start3A_31] : memref<4096x1024xf32, #tpu.memory_space<hbm>> -> memref<4096x1024xf32, #tpu.memory_space<hbm>>
    tpu.enqueue_indirect_dma source(%arg7 : memref<64x1024xf32, #tpu.memory_space<vmem>>) target(%dma_start3A_32 : memref<4096x1024xf32, #tpu.memory_space<hbm>>) offsets(%arg6 : memref<64xi32, #tpu.memory_space<vmem>>) semaphore(%arg8 : memref<!tpu.dma_semaphore, #tpu.memory_space<semaphore_mem>>)
    %dma_wait3A = arith.constant 0 : i32
    %dma_wait3A_33 = arith.constant 0 : i32
    %dma_wait3A_34 = tpu.memref_slice %arg4[%dma_wait3A, %dma_wait3A_33] : memref<4096x1024xf32, #tpu.memory_space<hbm>> -> memref<4096x1024xf32, #tpu.memory_space<hbm>>
    tpu.wait_indirect_dma semaphore(%arg8 : memref<!tpu.dma_semaphore, #tpu.memory_space<semaphore_mem>>) src(%arg7 : memref<64x1024xf32, #tpu.memory_space<vmem>>) dst(%dma_wait3A_34 : memref<4096x1024xf32, #tpu.memory_space<hbm>>)
    %get3A_35 = arith.constant 64 : index
    %get3A_36 = tpu.vector_load %arg5[%get3A_35] {strides = array<i32>} : memref<128xi32, #tpu.memory_space<vmem>>, vector<16xi32>,
    %get3A_37 = vector.shape_cast %get3A_36 : vector<16xi32> to vector<16xi32>
    %swap3A_38 = arith.constant 0 : index
    %swap3A_39 = tpu.vector_load %arg6[%swap3A_38] {strides = array<i32>} : memref<64xi32, #tpu.memory_space<vmem>>, vector<16xi32>,
    %swap3A_40 = vector.shape_cast %swap3A_39 : vector<16xi32> to vector<16xi32>
    %swap3A_41 = vector.shape_cast %get3A_37 : vector<16xi32> to vector<16xi32>
    tpu.vector_store %arg6[%swap3A_38], %swap3A_41 {strides = array<i32>} : memref<64xi32, #tpu.memory_space<vmem>>, vector<16xi32>,
    %get3A_42 = arith.constant 80 : index
    %get3A_43 = tpu.vector_load %arg5[%get3A_42] {strides = array<i32>} : memref<128xi32, #tpu.memory_space<vmem>>, vector<16xi32>,
    %get3A_44 = vector.shape_cast %get3A_43 : vector<16xi32> to vector<16xi32>
    %swap3A_45 = arith.constant 16 : index
    %swap3A_46 = tpu.vector_load %arg6[%swap3A_45] {strides = array<i32>} : memref<64xi32, #tpu.memory_space<vmem>>, vector<16xi32>,
    %swap3A_47 = vector.shape_cast %swap3A_46 : vector<16xi32> to vector<16xi32>
    %swap3A_48 = vector.shape_cast %get3A_44 : vector<16xi32> to vector<16xi32>
    tpu.vector_store %arg6[%swap3A_45], %swap3A_48 {strides = array<i32>} : memref<64xi32, #tpu.memory_space<vmem>>, vector<16xi32>,
    %get3A_49 = arith.constant 96 : index
    %get3A_50 = tpu.vector_load %arg5[%get3A_49] {strides = array<i32>} : memref<128xi32, #tpu.memory_space<vmem>>, vector<16xi32>,
    %get3A_51 = vector.shape_cast %get3A_50 : vector<16xi32> to vector<16xi32>
    %swap3A_52 = arith.constant 32 : index
    %swap3A_53 = tpu.vector_load %arg6[%swap3A_52] {strides = array<i32>} : memref<64xi32, #tpu.memory_space<vmem>>, vector<16xi32>,
    %swap3A_54 = vector.shape_cast %swap3A_53 : vector<16xi32> to vector<16xi32>
    %swap3A_55 = vector.shape_cast %get3A_51 : vector<16xi32> to vector<16xi32>
    tpu.vector_store %arg6[%swap3A_52], %swap3A_55 {strides = array<i32>} : memref<64xi32, #tpu.memory_space<vmem>>, vector<16xi32>,
    %get3A_56 = arith.constant 112 : index
    %get3A_57 = tpu.vector_load %arg5[%get3A_56] {strides = array<i32>} : memref<128xi32, #tpu.memory_space<vmem>>, vector<16xi32>,
    %get3A_58 = vector.shape_cast %get3A_57 : vector<16xi32> to vector<16xi32>
    %swap3A_59 = arith.constant 48 : index
    %swap3A_60 = tpu.vector_load %arg6[%swap3A_59] {strides = array<i32>} : memref<64xi32, #tpu.memory_space<vmem>>, vector<16xi32>,
    %swap3A_61 = vector.shape_cast %swap3A_60 : vector<16xi32> to vector<16xi32>
    %swap3A_62 = vector.shape_cast %get3A_58 : vector<16xi32> to vector<16xi32>
    tpu.vector_store %arg6[%swap3A_59], %swap3A_62 {strides = array<i32>} : memref<64xi32, #tpu.memory_space<vmem>>, vector<16xi32>,
    %add3A_63 = arith.constant 64 : i32
    %add3A_64 = arith.addi %mul3A_2, %add3A_63 : i32
    "tpu.region"() ({
      %run_scoped3A = tpu.sem_alloc : memref<!tpu.dma_semaphore, #tpu.memory_space<semaphore_mem>>
      %dma_start3A_71 = arith.constant 0 : i32
      %dma_start3A_72 = tpu.memref_slice %arg2[%add3A_64, %dma_start3A_71] : memref<4096x1024xf32, #tpu.memory_space<hbm>> -> memref<64x1024xf32, #tpu.memory_space<hbm>>
      %dma_start3A_73 = arith.constant 0 : i32
      %dma_start3A_74 = tpu.memref_slice %arg2[%add3A_64, %dma_start3A_73] : memref<4096x1024xf32, #tpu.memory_space<hbm>> -> memref<64x1024xf32, #tpu.memory_space<hbm>>
      tpu.enqueue_dma source(%dma_start3A_74 : memref<64x1024xf32, #tpu.memory_space<hbm>>) target(%arg7 : memref<64x1024xf32, #tpu.memory_space<vmem>>) target_semaphore(%run_scoped3A : memref<!tpu.dma_semaphore, #tpu.memory_space<semaphore_mem>>)
      %dma_wait3A_75 = arith.constant 0 : i32
      %dma_wait3A_76 = tpu.memref_slice %arg2[%add3A_64, %dma_wait3A_75] : memref<4096x1024xf32, #tpu.memory_space<hbm>> -> memref<64x1024xf32, #tpu.memory_space<hbm>>
      %dma_wait3A_77 = arith.constant 0 : i32
      %dma_wait3A_78 = tpu.memref_slice %arg2[%add3A_64, %dma_wait3A_77] : memref<4096x1024xf32, #tpu.memory_space<hbm>> -> memref<64x1024xf32, #tpu.memory_space<hbm>>
      tpu.wait_dma2 semaphore(%run_scoped3A : memref<!tpu.dma_semaphore, #tpu.memory_space<semaphore_mem>>) src(%dma_wait3A_78 : memref<64x1024xf32, #tpu.memory_space<hbm>>) dst(%arg7 : memref<64x1024xf32, #tpu.memory_space<vmem>>)
      tpu.yield
    }) : () -> ()
    %dma_start3A_65 = arith.constant 0 : i32
    %dma_start3A_66 = arith.constant 0 : i32
    %dma_start3A_67 = tpu.memref_slice %arg4[%dma_start3A_65, %dma_start3A_66] : memref<4096x1024xf32, #tpu.memory_space<hbm>> -> memref<4096x1024xf32, #tpu.memory_space<hbm>>
    tpu.enqueue_indirect_dma source(%arg7 : memref<64x1024xf32, #tpu.memory_space<vmem>>) target(%dma_start3A_67 : memref<4096x1024xf32, #tpu.memory_space<hbm>>) offsets(%arg6 : memref<64xi32, #tpu.memory_space<vmem>>) semaphore(%arg8 : memref<!tpu.dma_semaphore, #tpu.memory_space<semaphore_mem>>)
    %dma_wait3A_68 = arith.constant 0 : i32
    %dma_wait3A_69 = arith.constant 0 : i32
    %dma_wait3A_70 = tpu.memref_slice %arg4[%dma_wait3A_68, %dma_wait3A_69] : memref<4096x1024xf32, #tpu.memory_space<hbm>> -> memref<4096x1024xf32, #tpu.memory_space<hbm>>
    tpu.wait_indirect_dma semaphore(%arg8 : memref<!tpu.dma_semaphore, #tpu.memory_space<semaphore_mem>>) src(%arg7 : memref<64x1024xf32, #tpu.memory_space<vmem>>) dst(%dma_wait3A_70 : memref<4096x1024xf32, #tpu.memory_space<hbm>>)
    return
  }
}

module attributes {stable_mosaic.version = 14 : i64} {
  func.func @_route_body(%arg0: memref<4096x1024xf32, #tpu.memory_space<vmem>>, %arg1: memref<1024x128xf32, #tpu.memory_space<vmem>>, %arg2: memref<32x128xi32, #tpu.memory_space<vmem>>, %arg3: memref<1x128xi32, #tpu.memory_space<vmem>>, %arg4: memref<4096x128xf32, #tpu.memory_space<vmem>>) attributes {dimension_semantics = [], scalar_prefetch = 0 : i64, scratch_operands = 1 : i64, tpu.core_type = #tpu.core_type<tc>} {
    %get3A = arith.constant 0 : index
    %get3A_0 = arith.constant 0 : index
    %get3A_1 = vector.load %arg0[%get3A, %get3A_0] : memref<4096x1024xf32, #tpu.memory_space<vmem>>, vector<4096x1024xf32>
    %get3A_2 = arith.constant 0 : index
    %get3A_3 = arith.constant 0 : index
    %get3A_4 = vector.load %arg1[%get3A_2, %get3A_3] : memref<1024x128xf32, #tpu.memory_space<vmem>>, vector<1024x128xf32>
    %dot_general3A = arith.constant dense<0.000000e+00> : vector<4096x128xf32>
    %dot_general3A_5 = tpu.matmul %get3A_1, %get3A_4, %dot_general3A {dimension_numbers = #tpu.dot_dimension_numbers<[1], [0], [0], [1], [0, 0, 1, 1], [], []>, transpose_lhs_hint = false} : vector<4096x1024xf32>, vector<1024x128xf32>, vector<4096x128xf32> -> vector<4096x128xf32>
    %iota3A = tpu.iota {dimensions = array<i32: 1>} : vector<4096x128xi32>
    %iota3A_6 = tpu.iota {dimensions = array<i32: 0>} : vector<4096x128xi32>
    %lt3A = arith.constant 3 : i32
    %lt3A_7 = vector.broadcast %lt3A : i32 to vector<4096x128xi32>
    %lt3A_8 = arith.cmpi slt, %iota3A, %lt3A_7 : vector<4096x128xi32>
    %shift_left3A = arith.constant 1 : i32
    %shift_left3A_9 = vector.broadcast %shift_left3A : i32 to vector<4096x128xi32>
    %shift_left3A_10 = arith.shli %shift_left3A_9, %iota3A : vector<4096x128xi32>
    %jit3A = arith.constant 0 : i32
    %broadcast_in_dim3A = vector.broadcast %jit3A : i32 to vector<4096x128xi32>
    %select_n3A = arith.select %lt3A_8, %shift_left3A_10, %broadcast_in_dim3A : vector<4096x128xi1>, vector<4096x128xi32>
    %gt3A = arith.constant 0.000000e+00 : f32
    %gt3A_11 = vector.broadcast %gt3A : f32 to vector<4096x128xf32>
    %gt3A_12 = arith.cmpf ogt, %dot_general3A_5, %gt3A_11 : vector<4096x128xf32>
    %jit3A_13 = arith.constant 0 : i32
    %broadcast_in_dim3A_14 = vector.broadcast %jit3A_13 : i32 to vector<4096x128xi32>
    %select_n3A_15 = arith.select %gt3A_12, %select_n3A, %broadcast_in_dim3A_14 : vector<4096x128xi1>, vector<4096x128xi32>
    %reduce_sum3A = arith.constant dense<0> : vector<4096xi32>
    %reduce_sum3A_16 = vector.multi_reduction <add>, %select_n3A_15, %reduce_sum3A [1] : vector<4096x128xi32> to vector<4096xi32>
    %broadcast_in_dim3A_17 = vector.shape_cast %reduce_sum3A_16 : vector<4096xi32> to vector<4096x1xi32>
    %eq3A = vector.broadcast %broadcast_in_dim3A_17 : vector<4096x1xi32> to vector<4096x128xi32>
    %eq3A_18 = arith.cmpi eq, %iota3A, %eq3A : vector<4096x128xi32>
    %convert_element_type3A = arith.extui %eq3A_18 : vector<4096x128xi1> to vector<4096x128xi32>
    %convert_element_type3A_19 = arith.sitofp %convert_element_type3A : vector<4096x128xi32> to vector<4096x128xf32>
    %iota3A_20 = tpu.iota {dimensions = array<i32: 0>} : vector<32x4096xi32>
    %iota3A_21 = tpu.iota {dimensions = array<i32: 1>} : vector<32x4096xi32>
    %jit3A_22 = arith.constant 128 : i32
    %div3A = vector.broadcast %jit3A_22 : i32 to vector<32x4096xi32>
    %div3A_23 = arith.divsi %iota3A_21, %div3A : vector<32x4096xi32>
    %sign3A = arith.constant 0 : i32
    %sign3A_24 = vector.broadcast %sign3A : i32 to vector<32x4096xi32>
    %sign3A_25 = arith.cmpi sgt, %iota3A_21, %sign3A_24 : vector<32x4096xi32>
    %sign3A_26 = arith.extui %sign3A_25 : vector<32x4096xi1> to vector<32x4096xi32>
    %sign3A_27 = arith.constant 0 : i32
    %sign3A_28 = vector.broadcast %sign3A_27 : i32 to vector<32x4096xi32>
    %sign3A_29 = arith.cmpi slt, %iota3A_21, %sign3A_28 : vector<32x4096xi32>
    %sign3A_30 = arith.extui %sign3A_29 : vector<32x4096xi1> to vector<32x4096xi32>
    %sign3A_31 = arith.subi %sign3A_26, %sign3A_30 : vector<32x4096xi32>
    %sign3A_32 = arith.constant 0 : i32
    %sign3A_33 = arith.cmpi sgt, %jit3A_22, %sign3A_32 : i32
    %sign3A_34 = arith.extui %sign3A_33 : i1 to i32
    %sign3A_35 = arith.constant 0 : i32
    %sign3A_36 = arith.cmpi slt, %jit3A_22, %sign3A_35 : i32
    %sign3A_37 = arith.extui %sign3A_36 : i1 to i32
    %sign3A_38 = arith.subi %sign3A_34, %sign3A_37 : i32
    %ne3A = vector.broadcast %sign3A_38 : i32 to vector<32x4096xi32>
    %ne3A_39 = arith.cmpi ne, %sign3A_31, %ne3A : vector<32x4096xi32>
    %rem3A = vector.broadcast %jit3A_22 : i32 to vector<32x4096xi32>
    %rem3A_40 = arith.remsi %iota3A_21, %rem3A : vector<32x4096xi32>
    %ne3A_41 = arith.constant 0 : i32
    %ne3A_42 = vector.broadcast %ne3A_41 : i32 to vector<32x4096xi32>
    %ne3A_43 = arith.cmpi ne, %rem3A_40, %ne3A_42 : vector<32x4096xi32>
    %and3A = arith.andi %ne3A_39, %ne3A_43 : vector<32x4096xi1>
    %sub3A = arith.constant 1 : i32
    %sub3A_44 = vector.broadcast %sub3A : i32 to vector<32x4096xi32>
    %sub3A_45 = arith.subi %div3A_23, %sub3A_44 : vector<32x4096xi32>
    %select_n3A_46 = arith.select %and3A, %sub3A_45, %div3A_23 : vector<32x4096xi1>, vector<32x4096xi32>
    %eq3A_47 = arith.cmpi eq, %select_n3A_46, %iota3A_20 : vector<32x4096xi32>
    %convert_element_type3A_48 = arith.extui %eq3A_47 : vector<32x4096xi1> to vector<32x4096xi32>
    %convert_element_type3A_49 = arith.sitofp %convert_element_type3A_48 : vector<32x4096xi32> to vector<32x4096xf32>
    %dot_general3A_50 = arith.constant dense<0.000000e+00> : vector<32x128xf32>
    %dot_general3A_51 = tpu.matmul %convert_element_type3A_49, %convert_element_type3A_19, %dot_general3A_50 {dimension_numbers = #tpu.dot_dimension_numbers<[1], [0], [0], [1], [0, 0, 1, 1], [], []>, transpose_lhs_hint = false} : vector<32x4096xf32>, vector<4096x128xf32>, vector<32x128xf32> -> vector<32x128xf32>
    %iota3A_52 = tpu.iota {dimensions = array<i32: 0>} : vector<32x32xi32>
    %iota3A_53 = tpu.iota {dimensions = array<i32: 1>} : vector<32x32xi32>
    %lt3A_54 = arith.cmpi slt, %iota3A_53, %iota3A_52 : vector<32x32xi32>
    %convert_element_type3A_55 = arith.extui %lt3A_54 : vector<32x32xi1> to vector<32x32xi32>
    %convert_element_type3A_56 = arith.sitofp %convert_element_type3A_55 : vector<32x32xi32> to vector<32x32xf32>
    %dot_general3A_57 = arith.constant dense<0.000000e+00> : vector<32x128xf32>
    %dot_general3A_58 = tpu.matmul %convert_element_type3A_56, %dot_general3A_51, %dot_general3A_57 {dimension_numbers = #tpu.dot_dimension_numbers<[1], [0], [0], [1], [0, 0, 1, 1], [], []>, precision = #tpu.contract_precision<fp32>, transpose_lhs_hint = false} : vector<32x32xf32>, vector<32x128xf32>, vector<32x128xf32> -> vector<32x128xf32>
    %iota3A_59 = tpu.iota {dimensions = array<i32: 0>} : vector<4096x32xi32>
    %iota3A_60 = tpu.iota {dimensions = array<i32: 1>} : vector<4096x32xi32>
    %jit3A_61 = arith.constant 128 : i32
    %div3A_62 = vector.broadcast %jit3A_61 : i32 to vector<4096x32xi32>
    %div3A_63 = arith.divsi %iota3A_59, %div3A_62 : vector<4096x32xi32>
    %sign3A_64 = arith.constant 0 : i32
    %sign3A_65 = vector.broadcast %sign3A_64 : i32 to vector<4096x32xi32>
    %sign3A_66 = arith.cmpi sgt, %iota3A_59, %sign3A_65 : vector<4096x32xi32>
    %sign3A_67 = arith.extui %sign3A_66 : vector<4096x32xi1> to vector<4096x32xi32>
    %sign3A_68 = arith.constant 0 : i32
    %sign3A_69 = vector.broadcast %sign3A_68 : i32 to vector<4096x32xi32>
    %sign3A_70 = arith.cmpi slt, %iota3A_59, %sign3A_69 : vector<4096x32xi32>
    %sign3A_71 = arith.extui %sign3A_70 : vector<4096x32xi1> to vector<4096x32xi32>
    %sign3A_72 = arith.subi %sign3A_67, %sign3A_71 : vector<4096x32xi32>
    %sign3A_73 = arith.constant 0 : i32
    %sign3A_74 = arith.cmpi sgt, %jit3A_61, %sign3A_73 : i32
    %sign3A_75 = arith.extui %sign3A_74 : i1 to i32
    %sign3A_76 = arith.constant 0 : i32
    %sign3A_77 = arith.cmpi slt, %jit3A_61, %sign3A_76 : i32
    %sign3A_78 = arith.extui %sign3A_77 : i1 to i32
    %sign3A_79 = arith.subi %sign3A_75, %sign3A_78 : i32
    %ne3A_80 = vector.broadcast %sign3A_79 : i32 to vector<4096x32xi32>
    %ne3A_81 = arith.cmpi ne, %sign3A_72, %ne3A_80 : vector<4096x32xi32>
    %rem3A_82 = vector.broadcast %jit3A_61 : i32 to vector<4096x32xi32>
    %rem3A_83 = arith.remsi %iota3A_59, %rem3A_82 : vector<4096x32xi32>
    %ne3A_84 = arith.constant 0 : i32
    %ne3A_85 = vector.broadcast %ne3A_84 : i32 to vector<4096x32xi32>
    %ne3A_86 = arith.cmpi ne, %rem3A_83, %ne3A_85 : vector<4096x32xi32>
    %and3A_87 = arith.andi %ne3A_81, %ne3A_86 : vector<4096x32xi1>
    %sub3A_88 = arith.constant 1 : i32
    %sub3A_89 = vector.broadcast %sub3A_88 : i32 to vector<4096x32xi32>
    %sub3A_90 = arith.subi %div3A_63, %sub3A_89 : vector<4096x32xi32>
    %select_n3A_91 = arith.select %and3A_87, %sub3A_90, %div3A_63 : vector<4096x32xi1>, vector<4096x32xi32>
    %eq3A_92 = arith.cmpi eq, %select_n3A_91, %iota3A_60 : vector<4096x32xi32>
    %convert_element_type3A_93 = arith.extui %eq3A_92 : vector<4096x32xi1> to vector<4096x32xi32>
    %convert_element_type3A_94 = arith.sitofp %convert_element_type3A_93 : vector<4096x32xi32> to vector<4096x32xf32>
    %dot_general3A_95 = arith.constant dense<0.000000e+00> : vector<4096x128xf32>
    %dot_general3A_96 = tpu.matmul %convert_element_type3A_94, %dot_general3A_58, %dot_general3A_95 {dimension_numbers = #tpu.dot_dimension_numbers<[1], [0], [0], [1], [0, 0, 1, 1], [], []>, precision = #tpu.contract_precision<fp32>, transpose_lhs_hint = false} : vector<4096x32xf32>, vector<32x128xf32>, vector<4096x128xf32> -> vector<4096x128xf32>
    %iota3A_97 = tpu.iota {dimensions = array<i32: 0>} : vector<128x128xi32>
    %iota3A_98 = tpu.iota {dimensions = array<i32: 1>} : vector<128x128xi32>
    %lt3A_99 = arith.cmpi slt, %iota3A_98, %iota3A_97 : vector<128x128xi32>
    %convert_element_type3A_100 = arith.extui %lt3A_99 : vector<128x128xi1> to vector<128x128xi32>
    %convert_element_type3A_101 = arith.sitofp %convert_element_type3A_100 : vector<128x128xi32> to vector<128x128xf32>
    %slice3A = vector.extract_strided_slice %convert_element_type3A_19 {offsets = [0, 0], sizes = [128, 128], strides = [1, 1]} : vector<4096x128xf32> to vector<128x128xf32>
    %dot_general3A_102 = arith.constant dense<0.000000e+00> : vector<128x128xf32>
    %dot_general3A_103 = tpu.matmul %convert_element_type3A_101, %slice3A, %dot_general3A_102 {dimension_numbers = #tpu.dot_dimension_numbers<[1], [0], [0], [1], [0, 0, 1, 1], [], []>, transpose_lhs_hint = false} : vector<128x128xf32>, vector<128x128xf32>, vector<128x128xf32> -> vector<128x128xf32>
    %swap3A = arith.constant 0 : index
    %swap3A_104 = arith.constant 0 : index
    %swap3A_105 = vector.load %arg4[%swap3A, %swap3A_104] : memref<4096x128xf32, #tpu.memory_space<vmem>>, vector<128x128xf32>
    tpu.vector_store %arg4[%swap3A, %swap3A_104], %dot_general3A_103 {strides = array<i32>} : memref<4096x128xf32, #tpu.memory_space<vmem>>, vector<128x128xf32>,
    %slice3A_106 = vector.extract_strided_slice %convert_element_type3A_19 {offsets = [128, 0], sizes = [128, 128], strides = [1, 1]} : vector<4096x128xf32> to vector<128x128xf32>
    %dot_general3A_107 = arith.constant dense<0.000000e+00> : vector<128x128xf32>
    %dot_general3A_108 = tpu.matmul %convert_element_type3A_101, %slice3A_106, %dot_general3A_107 {dimension_numbers = #tpu.dot_dimension_numbers<[1], [0], [0], [1], [0, 0, 1, 1], [], []>, transpose_lhs_hint = false} : vector<128x128xf32>, vector<128x128xf32>, vector<128x128xf32> -> vector<128x128xf32>
    %swap3A_109 = arith.constant 128 : index
    %swap3A_110 = arith.constant 0 : index
    %swap3A_111 = vector.load %arg4[%swap3A_109, %swap3A_110] : memref<4096x128xf32, #tpu.memory_space<vmem>>, vector<128x128xf32>
    tpu.vector_store %arg4[%swap3A_109, %swap3A_110], %dot_general3A_108 {strides = array<i32>} : memref<4096x128xf32, #tpu.memory_space<vmem>>, vector<128x128xf32>,
    %slice3A_112 = vector.extract_strided_slice %convert_element_type3A_19 {offsets = [256, 0], sizes = [128, 128], strides = [1, 1]} : vector<4096x128xf32> to vector<128x128xf32>
    %dot_general3A_113 = arith.constant dense<0.000000e+00> : vector<128x128xf32>
    %dot_general3A_114 = tpu.matmul %convert_element_type3A_101, %slice3A_112, %dot_general3A_113 {dimension_numbers = #tpu.dot_dimension_numbers<[1], [0], [0], [1], [0, 0, 1, 1], [], []>, transpose_lhs_hint = false} : vector<128x128xf32>, vector<128x128xf32>, vector<128x128xf32> -> vector<128x128xf32>
    %swap3A_115 = arith.constant 256 : index
    %swap3A_116 = arith.constant 0 : index
    %swap3A_117 = vector.load %arg4[%swap3A_115, %swap3A_116] : memref<4096x128xf32, #tpu.memory_space<vmem>>, vector<128x128xf32>
    tpu.vector_store %arg4[%swap3A_115, %swap3A_116], %dot_general3A_114 {strides = array<i32>} : memref<4096x128xf32, #tpu.memory_space<vmem>>, vector<128x128xf32>,
    %slice3A_118 = vector.extract_strided_slice %convert_element_type3A_19 {offsets = [384, 0], sizes = [128, 128], strides = [1, 1]} : vector<4096x128xf32> to vector<128x128xf32>
    %dot_general3A_119 = arith.constant dense<0.000000e+00> : vector<128x128xf32>
    %dot_general3A_120 = tpu.matmul %convert_element_type3A_101, %slice3A_118, %dot_general3A_119 {dimension_numbers = #tpu.dot_dimension_numbers<[1], [0], [0], [1], [0, 0, 1, 1], [], []>, transpose_lhs_hint = false} : vector<128x128xf32>, vector<128x128xf32>, vector<128x128xf32> -> vector<128x128xf32>
    %swap3A_121 = arith.constant 384 : index
    %swap3A_122 = arith.constant 0 : index
    %swap3A_123 = vector.load %arg4[%swap3A_121, %swap3A_122] : memref<4096x128xf32, #tpu.memory_space<vmem>>, vector<128x128xf32>
    tpu.vector_store %arg4[%swap3A_121, %swap3A_122], %dot_general3A_120 {strides = array<i32>} : memref<4096x128xf32, #tpu.memory_space<vmem>>, vector<128x128xf32>,
    %slice3A_124 = vector.extract_strided_slice %convert_element_type3A_19 {offsets = [512, 0], sizes = [128, 128], strides = [1, 1]} : vector<4096x128xf32> to vector<128x128xf32>
    %dot_general3A_125 = arith.constant dense<0.000000e+00> : vector<128x128xf32>
    %dot_general3A_126 = tpu.matmul %convert_element_type3A_101, %slice3A_124, %dot_general3A_125 {dimension_numbers = #tpu.dot_dimension_numbers<[1], [0], [0], [1], [0, 0, 1, 1], [], []>, transpose_lhs_hint = false} : vector<128x128xf32>, vector<128x128xf32>, vector<128x128xf32> -> vector<128x128xf32>
    %swap3A_127 = arith.constant 512 : index
    %swap3A_128 = arith.constant 0 : index
    %swap3A_129 = vector.load %arg4[%swap3A_127, %swap3A_128] : memref<4096x128xf32, #tpu.memory_space<vmem>>, vector<128x128xf32>
    tpu.vector_store %arg4[%swap3A_127, %swap3A_128], %dot_general3A_126 {strides = array<i32>} : memref<4096x128xf32, #tpu.memory_space<vmem>>, vector<128x128xf32>,
    %slice3A_130 = vector.extract_strided_slice %convert_element_type3A_19 {offsets = [640, 0], sizes = [128, 128], strides = [1, 1]} : vector<4096x128xf32> to vector<128x128xf32>
    %dot_general3A_131 = arith.constant dense<0.000000e+00> : vector<128x128xf32>
    %dot_general3A_132 = tpu.matmul %convert_element_type3A_101, %slice3A_130, %dot_general3A_131 {dimension_numbers = #tpu.dot_dimension_numbers<[1], [0], [0], [1], [0, 0, 1, 1], [], []>, transpose_lhs_hint = false} : vector<128x128xf32>, vector<128x128xf32>, vector<128x128xf32> -> vector<128x128xf32>
    %swap3A_133 = arith.constant 640 : index
    %swap3A_134 = arith.constant 0 : index
    %swap3A_135 = vector.load %arg4[%swap3A_133, %swap3A_134] : memref<4096x128xf32, #tpu.memory_space<vmem>>, vector<128x128xf32>
    tpu.vector_store %arg4[%swap3A_133, %swap3A_134], %dot_general3A_132 {strides = array<i32>} : memref<4096x128xf32, #tpu.memory_space<vmem>>, vector<128x128xf32>,
    %slice3A_136 = vector.extract_strided_slice %convert_element_type3A_19 {offsets = [768, 0], sizes = [128, 128], strides = [1, 1]} : vector<4096x128xf32> to vector<128x128xf32>
    %dot_general3A_137 = arith.constant dense<0.000000e+00> : vector<128x128xf32>
    %dot_general3A_138 = tpu.matmul %convert_element_type3A_101, %slice3A_136, %dot_general3A_137 {dimension_numbers = #tpu.dot_dimension_numbers<[1], [0], [0], [1], [0, 0, 1, 1], [], []>, transpose_lhs_hint = false} : vector<128x128xf32>, vector<128x128xf32>, vector<128x128xf32> -> vector<128x128xf32>
    %swap3A_139 = arith.constant 768 : index
    %swap3A_140 = arith.constant 0 : index
    %swap3A_141 = vector.load %arg4[%swap3A_139, %swap3A_140] : memref<4096x128xf32, #tpu.memory_space<vmem>>, vector<128x128xf32>
    tpu.vector_store %arg4[%swap3A_139, %swap3A_140], %dot_general3A_138 {strides = array<i32>} : memref<4096x128xf32, #tpu.memory_space<vmem>>, vector<128x128xf32>,
    %slice3A_142 = vector.extract_strided_slice %convert_element_type3A_19 {offsets = [896, 0], sizes = [128, 128], strides = [1, 1]} : vector<4096x128xf32> to vector<128x128xf32>
    %dot_general3A_143 = arith.constant dense<0.000000e+00> : vector<128x128xf32>
    %dot_general3A_144 = tpu.matmul %convert_element_type3A_101, %slice3A_142, %dot_general3A_143 {dimension_numbers = #tpu.dot_dimension_numbers<[1], [0], [0], [1], [0, 0, 1, 1], [], []>, transpose_lhs_hint = false} : vector<128x128xf32>, vector<128x128xf32>, vector<128x128xf32> -> vector<128x128xf32>
    %swap3A_145 = arith.constant 896 : index
    %swap3A_146 = arith.constant 0 : index
    %swap3A_147 = vector.load %arg4[%swap3A_145, %swap3A_146] : memref<4096x128xf32, #tpu.memory_space<vmem>>, vector<128x128xf32>
    tpu.vector_store %arg4[%swap3A_145, %swap3A_146], %dot_general3A_144 {strides = array<i32>} : memref<4096x128xf32, #tpu.memory_space<vmem>>, vector<128x128xf32>,
    %slice3A_148 = vector.extract_strided_slice %convert_element_type3A_19 {offsets = [1024, 0], sizes = [128, 128], strides = [1, 1]} : vector<4096x128xf32> to vector<128x128xf32>
    %dot_general3A_149 = arith.constant dense<0.000000e+00> : vector<128x128xf32>
    %dot_general3A_150 = tpu.matmul %convert_element_type3A_101, %slice3A_148, %dot_general3A_149 {dimension_numbers = #tpu.dot_dimension_numbers<[1], [0], [0], [1], [0, 0, 1, 1], [], []>, transpose_lhs_hint = false} : vector<128x128xf32>, vector<128x128xf32>, vector<128x128xf32> -> vector<128x128xf32>
    %swap3A_151 = arith.constant 1024 : index
    %swap3A_152 = arith.constant 0 : index
    %swap3A_153 = vector.load %arg4[%swap3A_151, %swap3A_152] : memref<4096x128xf32, #tpu.memory_space<vmem>>, vector<128x128xf32>
    tpu.vector_store %arg4[%swap3A_151, %swap3A_152], %dot_general3A_150 {strides = array<i32>} : memref<4096x128xf32, #tpu.memory_space<vmem>>, vector<128x128xf32>,
    %slice3A_154 = vector.extract_strided_slice %convert_element_type3A_19 {offsets = [1152, 0], sizes = [128, 128], strides = [1, 1]} : vector<4096x128xf32> to vector<128x128xf32>
    %dot_general3A_155 = arith.constant dense<0.000000e+00> : vector<128x128xf32>
    %dot_general3A_156 = tpu.matmul %convert_element_type3A_101, %slice3A_154, %dot_general3A_155 {dimension_numbers = #tpu.dot_dimension_numbers<[1], [0], [0], [1], [0, 0, 1, 1], [], []>, transpose_lhs_hint = false} : vector<128x128xf32>, vector<128x128xf32>, vector<128x128xf32> -> vector<128x128xf32>
    %swap3A_157 = arith.constant 1152 : index
    %swap3A_158 = arith.constant 0 : index
    %swap3A_159 = vector.load %arg4[%swap3A_157, %swap3A_158] : memref<4096x128xf32, #tpu.memory_space<vmem>>, vector<128x128xf32>
    tpu.vector_store %arg4[%swap3A_157, %swap3A_158], %dot_general3A_156 {strides = array<i32>} : memref<4096x128xf32, #tpu.memory_space<vmem>>, vector<128x128xf32>,
    %slice3A_160 = vector.extract_strided_slice %convert_element_type3A_19 {offsets = [1280, 0], sizes = [128, 128], strides = [1, 1]} : vector<4096x128xf32> to vector<128x128xf32>
    %dot_general3A_161 = arith.constant dense<0.000000e+00> : vector<128x128xf32>
    %dot_general3A_162 = tpu.matmul %convert_element_type3A_101, %slice3A_160, %dot_general3A_161 {dimension_numbers = #tpu.dot_dimension_numbers<[1], [0], [0], [1], [0, 0, 1, 1], [], []>, transpose_lhs_hint = false} : vector<128x128xf32>, vector<128x128xf32>, vector<128x128xf32> -> vector<128x128xf32>
    %swap3A_163 = arith.constant 1280 : index
    %swap3A_164 = arith.constant 0 : index
    %swap3A_165 = vector.load %arg4[%swap3A_163, %swap3A_164] : memref<4096x128xf32, #tpu.memory_space<vmem>>, vector<128x128xf32>
    tpu.vector_store %arg4[%swap3A_163, %swap3A_164], %dot_general3A_162 {strides = array<i32>} : memref<4096x128xf32, #tpu.memory_space<vmem>>, vector<128x128xf32>,
    %slice3A_166 = vector.extract_strided_slice %convert_element_type3A_19 {offsets = [1408, 0], sizes = [128, 128], strides = [1, 1]} : vector<4096x128xf32> to vector<128x128xf32>
    %dot_general3A_167 = arith.constant dense<0.000000e+00> : vector<128x128xf32>
    %dot_general3A_168 = tpu.matmul %convert_element_type3A_101, %slice3A_166, %dot_general3A_167 {dimension_numbers = #tpu.dot_dimension_numbers<[1], [0], [0], [1], [0, 0, 1, 1], [], []>, transpose_lhs_hint = false} : vector<128x128xf32>, vector<128x128xf32>, vector<128x128xf32> -> vector<128x128xf32>
    %swap3A_169 = arith.constant 1408 : index
    %swap3A_170 = arith.constant 0 : index
    %swap3A_171 = vector.load %arg4[%swap3A_169, %swap3A_170] : memref<4096x128xf32, #tpu.memory_space<vmem>>, vector<128x128xf32>
    tpu.vector_store %arg4[%swap3A_169, %swap3A_170], %dot_general3A_168 {strides = array<i32>} : memref<4096x128xf32, #tpu.memory_space<vmem>>, vector<128x128xf32>,
    %slice3A_172 = vector.extract_strided_slice %convert_element_type3A_19 {offsets = [1536, 0], sizes = [128, 128], strides = [1, 1]} : vector<4096x128xf32> to vector<128x128xf32>
    %dot_general3A_173 = arith.constant dense<0.000000e+00> : vector<128x128xf32>
    %dot_general3A_174 = tpu.matmul %convert_element_type3A_101, %slice3A_172, %dot_general3A_173 {dimension_numbers = #tpu.dot_dimension_numbers<[1], [0], [0], [1], [0, 0, 1, 1], [], []>, transpose_lhs_hint = false} : vector<128x128xf32>, vector<128x128xf32>, vector<128x128xf32> -> vector<128x128xf32>
    %swap3A_175 = arith.constant 1536 : index
    %swap3A_176 = arith.constant 0 : index
    %swap3A_177 = vector.load %arg4[%swap3A_175, %swap3A_176] : memref<4096x128xf32, #tpu.memory_space<vmem>>, vector<128x128xf32>
    tpu.vector_store %arg4[%swap3A_175, %swap3A_176], %dot_general3A_174 {strides = array<i32>} : memref<4096x128xf32, #tpu.memory_space<vmem>>, vector<128x128xf32>,
    %slice3A_178 = vector.extract_strided_slice %convert_element_type3A_19 {offsets = [1664, 0], sizes = [128, 128], strides = [1, 1]} : vector<4096x128xf32> to vector<128x128xf32>
    %dot_general3A_179 = arith.constant dense<0.000000e+00> : vector<128x128xf32>
    %dot_general3A_180 = tpu.matmul %convert_element_type3A_101, %slice3A_178, %dot_general3A_179 {dimension_numbers = #tpu.dot_dimension_numbers<[1], [0], [0], [1], [0, 0, 1, 1], [], []>, transpose_lhs_hint = false} : vector<128x128xf32>, vector<128x128xf32>, vector<128x128xf32> -> vector<128x128xf32>
    %swap3A_181 = arith.constant 1664 : index
    %swap3A_182 = arith.constant 0 : index
    %swap3A_183 = vector.load %arg4[%swap3A_181, %swap3A_182] : memref<4096x128xf32, #tpu.memory_space<vmem>>, vector<128x128xf32>
    tpu.vector_store %arg4[%swap3A_181, %swap3A_182], %dot_general3A_180 {strides = array<i32>} : memref<4096x128xf32, #tpu.memory_space<vmem>>, vector<128x128xf32>,
    %slice3A_184 = vector.extract_strided_slice %convert_element_type3A_19 {offsets = [1792, 0], sizes = [128, 128], strides = [1, 1]} : vector<4096x128xf32> to vector<128x128xf32>
    %dot_general3A_185 = arith.constant dense<0.000000e+00> : vector<128x128xf32>
    %dot_general3A_186 = tpu.matmul %convert_element_type3A_101, %slice3A_184, %dot_general3A_185 {dimension_numbers = #tpu.dot_dimension_numbers<[1], [0], [0], [1], [0, 0, 1, 1], [], []>, transpose_lhs_hint = false} : vector<128x128xf32>, vector<128x128xf32>, vector<128x128xf32> -> vector<128x128xf32>
    %swap3A_187 = arith.constant 1792 : index
    %swap3A_188 = arith.constant 0 : index
    %swap3A_189 = vector.load %arg4[%swap3A_187, %swap3A_188] : memref<4096x128xf32, #tpu.memory_space<vmem>>, vector<128x128xf32>
    tpu.vector_store %arg4[%swap3A_187, %swap3A_188], %dot_general3A_186 {strides = array<i32>} : memref<4096x128xf32, #tpu.memory_space<vmem>>, vector<128x128xf32>,
    %slice3A_190 = vector.extract_strided_slice %convert_element_type3A_19 {offsets = [1920, 0], sizes = [128, 128], strides = [1, 1]} : vector<4096x128xf32> to vector<128x128xf32>
    %dot_general3A_191 = arith.constant dense<0.000000e+00> : vector<128x128xf32>
    %dot_general3A_192 = tpu.matmul %convert_element_type3A_101, %slice3A_190, %dot_general3A_191 {dimension_numbers = #tpu.dot_dimension_numbers<[1], [0], [0], [1], [0, 0, 1, 1], [], []>, transpose_lhs_hint = false} : vector<128x128xf32>, vector<128x128xf32>, vector<128x128xf32> -> vector<128x128xf32>
    %swap3A_193 = arith.constant 1920 : index
    %swap3A_194 = arith.constant 0 : index
    %swap3A_195 = vector.load %arg4[%swap3A_193, %swap3A_194] : memref<4096x128xf32, #tpu.memory_space<vmem>>, vector<128x128xf32>
    tpu.vector_store %arg4[%swap3A_193, %swap3A_194], %dot_general3A_192 {strides = array<i32>} : memref<4096x128xf32, #tpu.memory_space<vmem>>, vector<128x128xf32>,
    %slice3A_196 = vector.extract_strided_slice %convert_element_type3A_19 {offsets = [2048, 0], sizes = [128, 128], strides = [1, 1]} : vector<4096x128xf32> to vector<128x128xf32>
    %dot_general3A_197 = arith.constant dense<0.000000e+00> : vector<128x128xf32>
    %dot_general3A_198 = tpu.matmul %convert_element_type3A_101, %slice3A_196, %dot_general3A_197 {dimension_numbers = #tpu.dot_dimension_numbers<[1], [0], [0], [1], [0, 0, 1, 1], [], []>, transpose_lhs_hint = false} : vector<128x128xf32>, vector<128x128xf32>, vector<128x128xf32> -> vector<128x128xf32>
    %swap3A_199 = arith.constant 2048 : index
    %swap3A_200 = arith.constant 0 : index
    %swap3A_201 = vector.load %arg4[%swap3A_199, %swap3A_200] : memref<4096x128xf32, #tpu.memory_space<vmem>>, vector<128x128xf32>
    tpu.vector_store %arg4[%swap3A_199, %swap3A_200], %dot_general3A_198 {strides = array<i32>} : memref<4096x128xf32, #tpu.memory_space<vmem>>, vector<128x128xf32>,
    %slice3A_202 = vector.extract_strided_slice %convert_element_type3A_19 {offsets = [2176, 0], sizes = [128, 128], strides = [1, 1]} : vector<4096x128xf32> to vector<128x128xf32>
    %dot_general3A_203 = arith.constant dense<0.000000e+00> : vector<128x128xf32>
    %dot_general3A_204 = tpu.matmul %convert_element_type3A_101, %slice3A_202, %dot_general3A_203 {dimension_numbers = #tpu.dot_dimension_numbers<[1], [0], [0], [1], [0, 0, 1, 1], [], []>, transpose_lhs_hint = false} : vector<128x128xf32>, vector<128x128xf32>, vector<128x128xf32> -> vector<128x128xf32>
    %swap3A_205 = arith.constant 2176 : index
    %swap3A_206 = arith.constant 0 : index
    %swap3A_207 = vector.load %arg4[%swap3A_205, %swap3A_206] : memref<4096x128xf32, #tpu.memory_space<vmem>>, vector<128x128xf32>
    tpu.vector_store %arg4[%swap3A_205, %swap3A_206], %dot_general3A_204 {strides = array<i32>} : memref<4096x128xf32, #tpu.memory_space<vmem>>, vector<128x128xf32>,
    %slice3A_208 = vector.extract_strided_slice %convert_element_type3A_19 {offsets = [2304, 0], sizes = [128, 128], strides = [1, 1]} : vector<4096x128xf32> to vector<128x128xf32>
    %dot_general3A_209 = arith.constant dense<0.000000e+00> : vector<128x128xf32>
    %dot_general3A_210 = tpu.matmul %convert_element_type3A_101, %slice3A_208, %dot_general3A_209 {dimension_numbers = #tpu.dot_dimension_numbers<[1], [0], [0], [1], [0, 0, 1, 1], [], []>, transpose_lhs_hint = false} : vector<128x128xf32>, vector<128x128xf32>, vector<128x128xf32> -> vector<128x128xf32>
    %swap3A_211 = arith.constant 2304 : index
    %swap3A_212 = arith.constant 0 : index
    %swap3A_213 = vector.load %arg4[%swap3A_211, %swap3A_212] : memref<4096x128xf32, #tpu.memory_space<vmem>>, vector<128x128xf32>
    tpu.vector_store %arg4[%swap3A_211, %swap3A_212], %dot_general3A_210 {strides = array<i32>} : memref<4096x128xf32, #tpu.memory_space<vmem>>, vector<128x128xf32>,
    %slice3A_214 = vector.extract_strided_slice %convert_element_type3A_19 {offsets = [2432, 0], sizes = [128, 128], strides = [1, 1]} : vector<4096x128xf32> to vector<128x128xf32>
    %dot_general3A_215 = arith.constant dense<0.000000e+00> : vector<128x128xf32>
    %dot_general3A_216 = tpu.matmul %convert_element_type3A_101, %slice3A_214, %dot_general3A_215 {dimension_numbers = #tpu.dot_dimension_numbers<[1], [0], [0], [1], [0, 0, 1, 1], [], []>, transpose_lhs_hint = false} : vector<128x128xf32>, vector<128x128xf32>, vector<128x128xf32> -> vector<128x128xf32>
    %swap3A_217 = arith.constant 2432 : index
    %swap3A_218 = arith.constant 0 : index
    %swap3A_219 = vector.load %arg4[%swap3A_217, %swap3A_218] : memref<4096x128xf32, #tpu.memory_space<vmem>>, vector<128x128xf32>
    tpu.vector_store %arg4[%swap3A_217, %swap3A_218], %dot_general3A_216 {strides = array<i32>} : memref<4096x128xf32, #tpu.memory_space<vmem>>, vector<128x128xf32>,
    %slice3A_220 = vector.extract_strided_slice %convert_element_type3A_19 {offsets = [2560, 0], sizes = [128, 128], strides = [1, 1]} : vector<4096x128xf32> to vector<128x128xf32>
    %dot_general3A_221 = arith.constant dense<0.000000e+00> : vector<128x128xf32>
    %dot_general3A_222 = tpu.matmul %convert_element_type3A_101, %slice3A_220, %dot_general3A_221 {dimension_numbers = #tpu.dot_dimension_numbers<[1], [0], [0], [1], [0, 0, 1, 1], [], []>, transpose_lhs_hint = false} : vector<128x128xf32>, vector<128x128xf32>, vector<128x128xf32> -> vector<128x128xf32>
    %swap3A_223 = arith.constant 2560 : index
    %swap3A_224 = arith.constant 0 : index
    %swap3A_225 = vector.load %arg4[%swap3A_223, %swap3A_224] : memref<4096x128xf32, #tpu.memory_space<vmem>>, vector<128x128xf32>
    tpu.vector_store %arg4[%swap3A_223, %swap3A_224], %dot_general3A_222 {strides = array<i32>} : memref<4096x128xf32, #tpu.memory_space<vmem>>, vector<128x128xf32>,
    %slice3A_226 = vector.extract_strided_slice %convert_element_type3A_19 {offsets = [2688, 0], sizes = [128, 128], strides = [1, 1]} : vector<4096x128xf32> to vector<128x128xf32>
    %dot_general3A_227 = arith.constant dense<0.000000e+00> : vector<128x128xf32>
    %dot_general3A_228 = tpu.matmul %convert_element_type3A_101, %slice3A_226, %dot_general3A_227 {dimension_numbers = #tpu.dot_dimension_numbers<[1], [0], [0], [1], [0, 0, 1, 1], [], []>, transpose_lhs_hint = false} : vector<128x128xf32>, vector<128x128xf32>, vector<128x128xf32> -> vector<128x128xf32>
    %swap3A_229 = arith.constant 2688 : index
    %swap3A_230 = arith.constant 0 : index
    %swap3A_231 = vector.load %arg4[%swap3A_229, %swap3A_230] : memref<4096x128xf32, #tpu.memory_space<vmem>>, vector<128x128xf32>
    tpu.vector_store %arg4[%swap3A_229, %swap3A_230], %dot_general3A_228 {strides = array<i32>} : memref<4096x128xf32, #tpu.memory_space<vmem>>, vector<128x128xf32>,
    %slice3A_232 = vector.extract_strided_slice %convert_element_type3A_19 {offsets = [2816, 0], sizes = [128, 128], strides = [1, 1]} : vector<4096x128xf32> to vector<128x128xf32>
    %dot_general3A_233 = arith.constant dense<0.000000e+00> : vector<128x128xf32>
    %dot_general3A_234 = tpu.matmul %convert_element_type3A_101, %slice3A_232, %dot_general3A_233 {dimension_numbers = #tpu.dot_dimension_numbers<[1], [0], [0], [1], [0, 0, 1, 1], [], []>, transpose_lhs_hint = false} : vector<128x128xf32>, vector<128x128xf32>, vector<128x128xf32> -> vector<128x128xf32>
    %swap3A_235 = arith.constant 2816 : index
    %swap3A_236 = arith.constant 0 : index
    %swap3A_237 = vector.load %arg4[%swap3A_235, %swap3A_236] : memref<4096x128xf32, #tpu.memory_space<vmem>>, vector<128x128xf32>
    tpu.vector_store %arg4[%swap3A_235, %swap3A_236], %dot_general3A_234 {strides = array<i32>} : memref<4096x128xf32, #tpu.memory_space<vmem>>, vector<128x128xf32>,
    %slice3A_238 = vector.extract_strided_slice %convert_element_type3A_19 {offsets = [2944, 0], sizes = [128, 128], strides = [1, 1]} : vector<4096x128xf32> to vector<128x128xf32>
    %dot_general3A_239 = arith.constant dense<0.000000e+00> : vector<128x128xf32>
    %dot_general3A_240 = tpu.matmul %convert_element_type3A_101, %slice3A_238, %dot_general3A_239 {dimension_numbers = #tpu.dot_dimension_numbers<[1], [0], [0], [1], [0, 0, 1, 1], [], []>, transpose_lhs_hint = false} : vector<128x128xf32>, vector<128x128xf32>, vector<128x128xf32> -> vector<128x128xf32>
    %swap3A_241 = arith.constant 2944 : index
    %swap3A_242 = arith.constant 0 : index
    %swap3A_243 = vector.load %arg4[%swap3A_241, %swap3A_242] : memref<4096x128xf32, #tpu.memory_space<vmem>>, vector<128x128xf32>
    tpu.vector_store %arg4[%swap3A_241, %swap3A_242], %dot_general3A_240 {strides = array<i32>} : memref<4096x128xf32, #tpu.memory_space<vmem>>, vector<128x128xf32>,
    %slice3A_244 = vector.extract_strided_slice %convert_element_type3A_19 {offsets = [3072, 0], sizes = [128, 128], strides = [1, 1]} : vector<4096x128xf32> to vector<128x128xf32>
    %dot_general3A_245 = arith.constant dense<0.000000e+00> : vector<128x128xf32>
    %dot_general3A_246 = tpu.matmul %convert_element_type3A_101, %slice3A_244, %dot_general3A_245 {dimension_numbers = #tpu.dot_dimension_numbers<[1], [0], [0], [1], [0, 0, 1, 1], [], []>, transpose_lhs_hint = false} : vector<128x128xf32>, vector<128x128xf32>, vector<128x128xf32> -> vector<128x128xf32>
    %swap3A_247 = arith.constant 3072 : index
    %swap3A_248 = arith.constant 0 : index
    %swap3A_249 = vector.load %arg4[%swap3A_247, %swap3A_248] : memref<4096x128xf32, #tpu.memory_space<vmem>>, vector<128x128xf32>
    tpu.vector_store %arg4[%swap3A_247, %swap3A_248], %dot_general3A_246 {strides = array<i32>} : memref<4096x128xf32, #tpu.memory_space<vmem>>, vector<128x128xf32>,
    %slice3A_250 = vector.extract_strided_slice %convert_element_type3A_19 {offsets = [3200, 0], sizes = [128, 128], strides = [1, 1]} : vector<4096x128xf32> to vector<128x128xf32>
    %dot_general3A_251 = arith.constant dense<0.000000e+00> : vector<128x128xf32>
    %dot_general3A_252 = tpu.matmul %convert_element_type3A_101, %slice3A_250, %dot_general3A_251 {dimension_numbers = #tpu.dot_dimension_numbers<[1], [0], [0], [1], [0, 0, 1, 1], [], []>, transpose_lhs_hint = false} : vector<128x128xf32>, vector<128x128xf32>, vector<128x128xf32> -> vector<128x128xf32>
    %swap3A_253 = arith.constant 3200 : index
    %swap3A_254 = arith.constant 0 : index
    %swap3A_255 = vector.load %arg4[%swap3A_253, %swap3A_254] : memref<4096x128xf32, #tpu.memory_space<vmem>>, vector<128x128xf32>
    tpu.vector_store %arg4[%swap3A_253, %swap3A_254], %dot_general3A_252 {strides = array<i32>} : memref<4096x128xf32, #tpu.memory_space<vmem>>, vector<128x128xf32>,
    %slice3A_256 = vector.extract_strided_slice %convert_element_type3A_19 {offsets = [3328, 0], sizes = [128, 128], strides = [1, 1]} : vector<4096x128xf32> to vector<128x128xf32>
    %dot_general3A_257 = arith.constant dense<0.000000e+00> : vector<128x128xf32>
    %dot_general3A_258 = tpu.matmul %convert_element_type3A_101, %slice3A_256, %dot_general3A_257 {dimension_numbers = #tpu.dot_dimension_numbers<[1], [0], [0], [1], [0, 0, 1, 1], [], []>, transpose_lhs_hint = false} : vector<128x128xf32>, vector<128x128xf32>, vector<128x128xf32> -> vector<128x128xf32>
    %swap3A_259 = arith.constant 3328 : index
    %swap3A_260 = arith.constant 0 : index
    %swap3A_261 = vector.load %arg4[%swap3A_259, %swap3A_260] : memref<4096x128xf32, #tpu.memory_space<vmem>>, vector<128x128xf32>
    tpu.vector_store %arg4[%swap3A_259, %swap3A_260], %dot_general3A_258 {strides = array<i32>} : memref<4096x128xf32, #tpu.memory_space<vmem>>, vector<128x128xf32>,
    %slice3A_262 = vector.extract_strided_slice %convert_element_type3A_19 {offsets = [3456, 0], sizes = [128, 128], strides = [1, 1]} : vector<4096x128xf32> to vector<128x128xf32>
    %dot_general3A_263 = arith.constant dense<0.000000e+00> : vector<128x128xf32>
    %dot_general3A_264 = tpu.matmul %convert_element_type3A_101, %slice3A_262, %dot_general3A_263 {dimension_numbers = #tpu.dot_dimension_numbers<[1], [0], [0], [1], [0, 0, 1, 1], [], []>, transpose_lhs_hint = false} : vector<128x128xf32>, vector<128x128xf32>, vector<128x128xf32> -> vector<128x128xf32>
    %swap3A_265 = arith.constant 3456 : index
    %swap3A_266 = arith.constant 0 : index
    %swap3A_267 = vector.load %arg4[%swap3A_265, %swap3A_266] : memref<4096x128xf32, #tpu.memory_space<vmem>>, vector<128x128xf32>
    tpu.vector_store %arg4[%swap3A_265, %swap3A_266], %dot_general3A_264 {strides = array<i32>} : memref<4096x128xf32, #tpu.memory_space<vmem>>, vector<128x128xf32>,
    %slice3A_268 = vector.extract_strided_slice %convert_element_type3A_19 {offsets = [3584, 0], sizes = [128, 128], strides = [1, 1]} : vector<4096x128xf32> to vector<128x128xf32>
    %dot_general3A_269 = arith.constant dense<0.000000e+00> : vector<128x128xf32>
    %dot_general3A_270 = tpu.matmul %convert_element_type3A_101, %slice3A_268, %dot_general3A_269 {dimension_numbers = #tpu.dot_dimension_numbers<[1], [0], [0], [1], [0, 0, 1, 1], [], []>, transpose_lhs_hint = false} : vector<128x128xf32>, vector<128x128xf32>, vector<128x128xf32> -> vector<128x128xf32>
    %swap3A_271 = arith.constant 3584 : index
    %swap3A_272 = arith.constant 0 : index
    %swap3A_273 = vector.load %arg4[%swap3A_271, %swap3A_272] : memref<4096x128xf32, #tpu.memory_space<vmem>>, vector<128x128xf32>
    tpu.vector_store %arg4[%swap3A_271, %swap3A_272], %dot_general3A_270 {strides = array<i32>} : memref<4096x128xf32, #tpu.memory_space<vmem>>, vector<128x128xf32>,
    %slice3A_274 = vector.extract_strided_slice %convert_element_type3A_19 {offsets = [3712, 0], sizes = [128, 128], strides = [1, 1]} : vector<4096x128xf32> to vector<128x128xf32>
    %dot_general3A_275 = arith.constant dense<0.000000e+00> : vector<128x128xf32>
    %dot_general3A_276 = tpu.matmul %convert_element_type3A_101, %slice3A_274, %dot_general3A_275 {dimension_numbers = #tpu.dot_dimension_numbers<[1], [0], [0], [1], [0, 0, 1, 1], [], []>, transpose_lhs_hint = false} : vector<128x128xf32>, vector<128x128xf32>, vector<128x128xf32> -> vector<128x128xf32>
    %swap3A_277 = arith.constant 3712 : index
    %swap3A_278 = arith.constant 0 : index
    %swap3A_279 = vector.load %arg4[%swap3A_277, %swap3A_278] : memref<4096x128xf32, #tpu.memory_space<vmem>>, vector<128x128xf32>
    tpu.vector_store %arg4[%swap3A_277, %swap3A_278], %dot_general3A_276 {strides = array<i32>} : memref<4096x128xf32, #tpu.memory_space<vmem>>, vector<128x128xf32>,
    %slice3A_280 = vector.extract_strided_slice %convert_element_type3A_19 {offsets = [3840, 0], sizes = [128, 128], strides = [1, 1]} : vector<4096x128xf32> to vector<128x128xf32>
    %dot_general3A_281 = arith.constant dense<0.000000e+00> : vector<128x128xf32>
    %dot_general3A_282 = tpu.matmul %convert_element_type3A_101, %slice3A_280, %dot_general3A_281 {dimension_numbers = #tpu.dot_dimension_numbers<[1], [0], [0], [1], [0, 0, 1, 1], [], []>, transpose_lhs_hint = false} : vector<128x128xf32>, vector<128x128xf32>, vector<128x128xf32> -> vector<128x128xf32>
    %swap3A_283 = arith.constant 3840 : index
    %swap3A_284 = arith.constant 0 : index
    %swap3A_285 = vector.load %arg4[%swap3A_283, %swap3A_284] : memref<4096x128xf32, #tpu.memory_space<vmem>>, vector<128x128xf32>
    tpu.vector_store %arg4[%swap3A_283, %swap3A_284], %dot_general3A_282 {strides = array<i32>} : memref<4096x128xf32, #tpu.memory_space<vmem>>, vector<128x128xf32>,
    %slice3A_286 = vector.extract_strided_slice %convert_element_type3A_19 {offsets = [3968, 0], sizes = [128, 128], strides = [1, 1]} : vector<4096x128xf32> to vector<128x128xf32>
    %dot_general3A_287 = arith.constant dense<0.000000e+00> : vector<128x128xf32>
    %dot_general3A_288 = tpu.matmul %convert_element_type3A_101, %slice3A_286, %dot_general3A_287 {dimension_numbers = #tpu.dot_dimension_numbers<[1], [0], [0], [1], [0, 0, 1, 1], [], []>, transpose_lhs_hint = false} : vector<128x128xf32>, vector<128x128xf32>, vector<128x128xf32> -> vector<128x128xf32>
    %swap3A_289 = arith.constant 3968 : index
    %swap3A_290 = arith.constant 0 : index
    %swap3A_291 = vector.load %arg4[%swap3A_289, %swap3A_290] : memref<4096x128xf32, #tpu.memory_space<vmem>>, vector<128x128xf32>
    tpu.vector_store %arg4[%swap3A_289, %swap3A_290], %dot_general3A_288 {strides = array<i32>} : memref<4096x128xf32, #tpu.memory_space<vmem>>, vector<128x128xf32>,
    %get3A_292 = arith.constant 0 : index
    %get3A_293 = arith.constant 0 : index
    %get3A_294 = vector.load %arg4[%get3A_292, %get3A_293] : memref<4096x128xf32, #tpu.memory_space<vmem>>, vector<4096x128xf32>
    %add3A = arith.addf %get3A_294, %dot_general3A_96 : vector<4096x128xf32>
    %mul3A = arith.mulf %convert_element_type3A_19, %add3A : vector<4096x128xf32>
    %reduce_sum3A_295 = arith.constant dense<0.000000e+00> : vector<4096xf32>
    %reduce_sum3A_296 = vector.multi_reduction <add>, %mul3A, %reduce_sum3A_295 [1] : vector<4096x128xf32> to vector<4096xf32>
    %broadcast_in_dim3A_297 = vector.shape_cast %reduce_sum3A_296 : vector<4096xf32> to vector<4096x1xf32>
    %broadcast_in_dim3A_298 = arith.constant 1.000000e+00 : f32
    %broadcast_in_dim3A_299 = vector.broadcast %broadcast_in_dim3A_298 : f32 to vector<1x32xf32>
    %dot_general3A_300 = arith.constant dense<0.000000e+00> : vector<1x128xf32>
    %dot_general3A_301 = tpu.matmul %broadcast_in_dim3A_299, %dot_general3A_51, %dot_general3A_300 {dimension_numbers = #tpu.dot_dimension_numbers<[1], [0], [0], [1], [0, 0, 1, 1], [], []>, transpose_lhs_hint = false} : vector<1x32xf32>, vector<32x128xf32>, vector<1x128xf32> -> vector<1x128xf32>
    %lt3A_302 = arith.cmpi slt, %iota3A_97, %iota3A_98 : vector<128x128xi32>
    %convert_element_type3A_303 = arith.extui %lt3A_302 : vector<128x128xi1> to vector<128x128xi32>
    %convert_element_type3A_304 = arith.sitofp %convert_element_type3A_303 : vector<128x128xi32> to vector<128x128xf32>
    %dot_general3A_305 = arith.constant dense<0.000000e+00> : vector<1x128xf32>
    %dot_general3A_306 = tpu.matmul %dot_general3A_301, %convert_element_type3A_304, %dot_general3A_305 {dimension_numbers = #tpu.dot_dimension_numbers<[1], [0], [0], [1], [0, 0, 1, 1], [], []>, precision = #tpu.contract_precision<fp32>, transpose_lhs_hint = false} : vector<1x128xf32>, vector<128x128xf32>, vector<1x128xf32> -> vector<1x128xf32>
    %mul3A_307 = vector.broadcast %dot_general3A_306 : vector<1x128xf32> to vector<4096x128xf32>
    %mul3A_308 = arith.mulf %convert_element_type3A_19, %mul3A_307 : vector<4096x128xf32>
    %reduce_sum3A_309 = arith.constant dense<0.000000e+00> : vector<4096xf32>
    %reduce_sum3A_310 = vector.multi_reduction <add>, %mul3A_308, %reduce_sum3A_309 [1] : vector<4096x128xf32> to vector<4096xf32>
    %broadcast_in_dim3A_311 = vector.shape_cast %reduce_sum3A_310 : vector<4096xf32> to vector<4096x1xf32>
    %add3A_312 = arith.addf %broadcast_in_dim3A_297, %broadcast_in_dim3A_311 : vector<4096x1xf32>
    %jit3A_313 = arith.constant 128 : i32
    %eq3A_314 = arith.constant 0 : i32
    %eq3A_315 = arith.cmpi eq, %jit3A_313, %eq3A_314 : i32
    %jit3A_316 = arith.constant 1 : i32
    %select_n3A_317 = arith.select %eq3A_315, %jit3A_316, %jit3A_313 : i32
    %rem3A_318 = vector.broadcast %select_n3A_317 : i32 to vector<4096x128xi32>
    %rem3A_319 = arith.remsi %iota3A_6, %rem3A_318 : vector<4096x128xi32>
    %ne3A_320 = arith.constant 0 : i32
    %ne3A_321 = vector.broadcast %ne3A_320 : i32 to vector<4096x128xi32>
    %ne3A_322 = arith.cmpi ne, %rem3A_319, %ne3A_321 : vector<4096x128xi32>
    %lt3A_323 = arith.constant 0 : i32
    %lt3A_324 = vector.broadcast %lt3A_323 : i32 to vector<4096x128xi32>
    %lt3A_325 = arith.cmpi slt, %rem3A_319, %lt3A_324 : vector<4096x128xi32>
    %lt3A_326 = arith.constant 0 : i32
    %lt3A_327 = arith.cmpi slt, %select_n3A_317, %lt3A_326 : i32
    %ne3A_328 = vector.broadcast %lt3A_327 : i1 to vector<4096x128xi1>
    %ne3A_329 = vector.broadcast %ne3A_328 : vector<4096x128xi1> to vector<4096x128xi1>
    %ne3A_330 = arith.xori %lt3A_325, %ne3A_329 : vector<4096x128xi1>
    %and3A_331 = arith.andi %ne3A_330, %ne3A_322 : vector<4096x128xi1>
    %add3A_332 = vector.broadcast %select_n3A_317 : i32 to vector<4096x128xi32>
    %add3A_333 = arith.addi %rem3A_319, %add3A_332 : vector<4096x128xi32>
    %select_n3A_334 = arith.select %and3A_331, %add3A_333, %rem3A_319 : vector<4096x128xi1>, vector<4096x128xi32>
    %eq3A_335 = arith.cmpi eq, %iota3A, %select_n3A_334 : vector<4096x128xi32>
    %convert_element_type3A_336 = arith.extui %eq3A_335 : vector<4096x128xi1> to vector<4096x128xi32>
    %convert_element_type3A_337 = arith.sitofp %convert_element_type3A_336 : vector<4096x128xi32> to vector<4096x128xf32>
    %mul3A_338 = vector.broadcast %add3A_312 : vector<4096x1xf32> to vector<4096x128xf32>
    %mul3A_339 = arith.mulf %mul3A_338, %convert_element_type3A_337 : vector<4096x128xf32>
    %dot_general3A_340 = arith.constant dense<0.000000e+00> : vector<32x128xf32>
    %dot_general3A_341 = tpu.matmul %convert_element_type3A_49, %mul3A_339, %dot_general3A_340 {dimension_numbers = #tpu.dot_dimension_numbers<[1], [0], [0], [1], [0, 0, 1, 1], [], []>, precision = #tpu.contract_precision<fp32>, transpose_lhs_hint = false} : vector<32x4096xf32>, vector<4096x128xf32>, vector<32x128xf32> -> vector<32x128xf32>
    %convert_element_type3A_342 = arith.fptosi %dot_general3A_341 : vector<32x128xf32> to vector<32x128xi32>
    %swap3A_343 = arith.constant 0 : index
    %swap3A_344 = arith.constant 0 : index
    %swap3A_345 = vector.load %arg2[%swap3A_343, %swap3A_344] : memref<32x128xi32, #tpu.memory_space<vmem>>, vector<32x128xi32>
    tpu.vector_store %arg2[%swap3A_343, %swap3A_344], %convert_element_type3A_342 {strides = array<i32>} : memref<32x128xi32, #tpu.memory_space<vmem>>, vector<32x128xi32>,
    %convert_element_type3A_346 = arith.fptosi %dot_general3A_301 : vector<1x128xf32> to vector<1x128xi32>
    %swap3A_347 = arith.constant 0 : index
    %swap3A_348 = arith.constant 0 : index
    %swap3A_349 = vector.load %arg3[%swap3A_347, %swap3A_348] : memref<1x128xi32, #tpu.memory_space<vmem>>, vector<1x128xi32>
    tpu.vector_store %arg3[%swap3A_347, %swap3A_348], %convert_element_type3A_346 {strides = array<i32>} : memref<1x128xi32, #tpu.memory_space<vmem>>, vector<1x128xi32>,
    return
  }
}

module attributes {stable_mosaic.version = 14 : i64} {
  func.func @_gmm_body(%arg0: i32, %arg1: memref<9xi32, #tpu.memory_space<smem>>, %arg2: memref<23xi32, #tpu.memory_space<smem>>, %arg3: memref<23xi32, #tpu.memory_space<smem>>, %arg4: memref<23xi32, #tpu.memory_space<smem>>, %arg5: memref<23xi32, #tpu.memory_space<smem>>, %arg6: memref<256x1024xf32, #tpu.memory_space<vmem>>, %arg7: memref<1x1024x1024xbf16, #tpu.memory_space<vmem>>, %arg8: memref<1x1x1024xf32, #tpu.memory_space<vmem>>, %arg9: memref<256x1024xf32, #tpu.memory_space<vmem>>) attributes {dimension_semantics = [#tpu.dimension_semantics<arbitrary>], iteration_bounds = array<i64: 23>, scalar_prefetch = 5 : i64, scratch_operands = 0 : i64, tpu.core_type = #tpu.core_type<tc>, window_params = [{transform_indices = @transform_0, window_bounds = array<i64: 256, 1024>}, {transform_indices = @transform_1, window_bounds = array<i64: 1, 1024, 1024>}, {transform_indices = @transform_2, window_bounds = array<i64: 1, 1, 1024>}, {transform_indices = @transform_3, window_bounds = array<i64: 256, 1024>}]} {
    %get3A = arith.index_cast %arg0 : i32 to index
    %get3A_0 = memref.load %arg3[%get3A] : memref<23xi32, #tpu.memory_space<smem>>
    %get3A_1 = arith.index_cast %get3A_0 : i32 to index
    %get3A_2 = memref.load %arg1[%get3A_1] : memref<9xi32, #tpu.memory_space<smem>>
    %add3A = arith.constant 1 : i32
    %add3A_3 = arith.addi %get3A_0, %add3A : i32
    %get3A_4 = arith.index_cast %add3A_3 : i32 to index
    %get3A_5 = memref.load %arg1[%get3A_4] : memref<9xi32, #tpu.memory_space<smem>>
    %get3A_6 = arith.index_cast %arg0 : i32 to index
    %get3A_7 = memref.load %arg2[%get3A_6] : memref<23xi32, #tpu.memory_space<smem>>
    %mul3A = arith.constant 256 : i32
    %mul3A_8 = arith.muli %get3A_7, %mul3A : i32
    %iota3A = tpu.iota {dimensions = array<i32: 0>} : vector<256x1xi32>
    %add3A_9 = vector.broadcast %mul3A_8 : i32 to vector<256x1xi32>
    %add3A_10 = arith.addi %add3A_9, %iota3A : vector<256x1xi32>
    %ge3A = vector.broadcast %get3A_2 : i32 to vector<256x1xi32>
    %ge3A_11 = arith.cmpi sge, %add3A_10, %ge3A : vector<256x1xi32>
    %lt3A = vector.broadcast %get3A_5 : i32 to vector<256x1xi32>
    %lt3A_12 = arith.cmpi slt, %add3A_10, %lt3A : vector<256x1xi32>
    %and3A = arith.andi %ge3A_11, %lt3A_12 : vector<256x1xi1>
    %get3A_13 = arith.index_cast %arg0 : i32 to index
    %get3A_14 = memref.load %arg4[%get3A_13] : memref<23xi32, #tpu.memory_space<smem>>
    %gt3A = arith.constant 0 : i32
    %gt3A_15 = arith.cmpi sgt, %get3A_14, %gt3A : i32
    %and3A_16 = vector.broadcast %gt3A_15 : i1 to vector<256x1xi1>
    %and3A_17 = arith.andi %and3A, %and3A_16 : vector<256x1xi1>
    %get3A_18 = arith.constant 0 : index
    %get3A_19 = arith.constant 0 : index
    %get3A_20 = vector.load %arg6[%get3A_18, %get3A_19] : memref<256x1024xf32, #tpu.memory_space<vmem>>, vector<256x1024xf32>
    %convert_element_type3A = arith.truncf %get3A_20 : vector<256x1024xf32> to vector<256x1024xbf16>
    %get3A_21 = arith.constant 0 : index
    %get3A_22 = arith.constant 0 : index
    %get3A_23 = arith.constant 0 : index
    %get3A_24 = vector.load %arg7[%get3A_21, %get3A_22, %get3A_23] : memref<1x1024x1024xbf16, #tpu.memory_space<vmem>>, vector<1x1024x1024xbf16>
    %get3A_25 = vector.shape_cast %get3A_24 : vector<1x1024x1024xbf16> to vector<1024x1024xbf16>
    %dot_general3A = arith.constant dense<0.000000e+00> : vector<256x1024xf32>
    %dot_general3A_26 = tpu.matmul %convert_element_type3A, %get3A_25, %dot_general3A {dimension_numbers = #tpu.dot_dimension_numbers<[1], [0], [0], [1], [0, 0, 1, 1], [], []>, transpose_lhs_hint = false} : vector<256x1024xbf16>, vector<1024x1024xbf16>, vector<256x1024xf32> -> vector<256x1024xf32>
    %get3A_27 = arith.constant 0 : index
    %get3A_28 = arith.constant 0 : index
    %get3A_29 = arith.constant 0 : index
    %get3A_30 = vector.load %arg8[%get3A_27, %get3A_28, %get3A_29] : memref<1x1x1024xf32, #tpu.memory_space<vmem>>, vector<1x1x1024xf32>
    %get3A_31 = vector.shape_cast %get3A_30 : vector<1x1x1024xf32> to vector<1x1024xf32>
    %add3A_32 = vector.broadcast %get3A_31 : vector<1x1024xf32> to vector<256x1024xf32>
    %add3A_33 = arith.addf %dot_general3A_26, %add3A_32 : vector<256x1024xf32>
    %jit3A = arith.constant 0.000000e+00 : f32
    %broadcast_in_dim3A = vector.shape_cast %and3A_17 : vector<256x1xi1> to vector<256x1xi1>
    %broadcast_in_dim3A_34 = vector.broadcast %broadcast_in_dim3A : vector<256x1xi1> to vector<256x1024xi1>
    %broadcast_in_dim3A_35 = vector.broadcast %jit3A : f32 to vector<256x1024xf32>
    %select_n3A = arith.select %broadcast_in_dim3A_34, %add3A_33, %broadcast_in_dim3A_35 : vector<256x1024xi1>, vector<256x1024xf32>
    %get3A_36 = arith.index_cast %arg0 : i32 to index
    %get3A_37 = memref.load %arg5[%get3A_36] : memref<23xi32, #tpu.memory_space<smem>>
    %eq3A = arith.constant 1 : i32
    %eq3A_38 = arith.cmpi eq, %get3A_37, %eq3A : i32
    %convert_element_type3A_39 = arith.extui %eq3A_38 : i1 to i32
    %cond3A = arith.constant 0 : i32
    %cond3A_40 = arith.cmpi ne, %convert_element_type3A_39, %cond3A : i32
    scf.if %cond3A_40 {
      %swap3A = arith.constant 0 : index
      %swap3A_48 = arith.constant 0 : index
      %swap3A_49 = vector.load %arg9[%swap3A, %swap3A_48] : memref<256x1024xf32, #tpu.memory_space<vmem>>, vector<256x1024xf32>
      tpu.vector_store %arg9[%swap3A, %swap3A_48], %select_n3A {strides = array<i32>} : memref<256x1024xf32, #tpu.memory_space<vmem>>, vector<256x1024xf32>,
    } else {
    }
    %get3A_41 = arith.index_cast %arg0 : i32 to index
    %get3A_42 = memref.load %arg5[%get3A_41] : memref<23xi32, #tpu.memory_space<smem>>
    %eq3A_43 = arith.constant 0 : i32
    %eq3A_44 = arith.cmpi eq, %get3A_42, %eq3A_43 : i32
    %convert_element_type3A_45 = arith.extui %eq3A_44 : i1 to i32
    %cond3A_46 = arith.constant 0 : i32
    %cond3A_47 = arith.cmpi ne, %convert_element_type3A_45, %cond3A_46 : i32
    scf.if %cond3A_47 {
      %get3A_48 = arith.constant 0 : index
      %get3A_49 = arith.constant 0 : index
      %get3A_50 = vector.load %arg9[%get3A_48, %get3A_49] : memref<256x1024xf32, #tpu.memory_space<vmem>>, vector<256x1024xf32>
      %add3A_51 = arith.addf %get3A_50, %select_n3A : vector<256x1024xf32>
      %swap3A = arith.constant 0 : index
      %swap3A_52 = arith.constant 0 : index
      %swap3A_53 = vector.load %arg9[%swap3A, %swap3A_52] : memref<256x1024xf32, #tpu.memory_space<vmem>>, vector<256x1024xf32>
      tpu.vector_store %arg9[%swap3A, %swap3A_52], %add3A_51 {strides = array<i32>} : memref<256x1024xf32, #tpu.memory_space<vmem>>, vector<256x1024xf32>,
    } else {
    }
    return
  }
  func.func @transform_0(%arg0: i32, %arg1: memref<9xi32, #tpu.memory_space<smem>>, %arg2: memref<23xi32, #tpu.memory_space<smem>>, %arg3: memref<23xi32, #tpu.memory_space<smem>>, %arg4: memref<23xi32, #tpu.memory_space<smem>>, %arg5: memref<23xi32, #tpu.memory_space<smem>>) -> (i32, i32) {
    %get3A = arith.index_cast %arg0 : i32 to index
    %get3A_0 = memref.load %arg2[%get3A] : memref<23xi32, #tpu.memory_space<smem>>
    %c0_i32 = arith.constant 0 : i32
    %c0_i32_1 = arith.constant 0 : i32
    return %get3A_0, %c0_i32 : i32, i32
  }
  func.func @transform_1(%arg0: i32, %arg1: memref<9xi32, #tpu.memory_space<smem>>, %arg2: memref<23xi32, #tpu.memory_space<smem>>, %arg3: memref<23xi32, #tpu.memory_space<smem>>, %arg4: memref<23xi32, #tpu.memory_space<smem>>, %arg5: memref<23xi32, #tpu.memory_space<smem>>) -> (i32, i32, i32) {
    %get3A = arith.index_cast %arg0 : i32 to index
    %get3A_0 = memref.load %arg3[%get3A] : memref<23xi32, #tpu.memory_space<smem>>
    %c0_i32 = arith.constant 0 : i32
    %c0_i32_1 = arith.constant 0 : i32
    %c0_i32_2 = arith.constant 0 : i32
    return %get3A_0, %c0_i32, %c0_i32_1 : i32, i32, i32
  }
  func.func @transform_2(%arg0: i32, %arg1: memref<9xi32, #tpu.memory_space<smem>>, %arg2: memref<23xi32, #tpu.memory_space<smem>>, %arg3: memref<23xi32, #tpu.memory_space<smem>>, %arg4: memref<23xi32, #tpu.memory_space<smem>>, %arg5: memref<23xi32, #tpu.memory_space<smem>>) -> (i32, i32, i32) {
    %get3A = arith.index_cast %arg0 : i32 to index
    %get3A_0 = memref.load %arg3[%get3A] : memref<23xi32, #tpu.memory_space<smem>>
    %c0_i32 = arith.constant 0 : i32
    %c0_i32_1 = arith.constant 0 : i32
    %c0_i32_2 = arith.constant 0 : i32
    return %get3A_0, %c0_i32, %c0_i32_1 : i32, i32, i32
  }
  func.func @transform_3(%arg0: i32, %arg1: memref<9xi32, #tpu.memory_space<smem>>, %arg2: memref<23xi32, #tpu.memory_space<smem>>, %arg3: memref<23xi32, #tpu.memory_space<smem>>, %arg4: memref<23xi32, #tpu.memory_space<smem>>, %arg5: memref<23xi32, #tpu.memory_space<smem>>) -> (i32, i32) {
    %get3A = arith.index_cast %arg0 : i32 to index
    %get3A_0 = memref.load %arg2[%get3A] : memref<23xi32, #tpu.memory_space<smem>>
    %c0_i32 = arith.constant 0 : i32
    %c0_i32_1 = arith.constant 0 : i32
    return %get3A_0, %c0_i32 : i32, i32
  }
}

</mosaic_0001>

<sc_bundles>
// kernel: kernel.6.cloned.1.call-start
scs
__scs_entry_jumppad:
0x0: {  	(pc) =	sbr.rel $0x88, $3  }
0x1: {  	(tag) =	ssettag $0x0;
	lr =	simm.s32 $0x1  }
0x2: {  	[smem:$0x3F9D] =	sst lr;
	_ =	strace $0xD0000000  }
0x3: {  	_ = 	snop  }
0x4: {  	_ = 	snop  }
0x5: {  	_ = 	snop  }
0x6: {  	_ = 	snop  }
0x7: {  	_ = 	snop  }
__scs_overlays_trampoline_lowered:
0x8: {  	[smem:$0x3FAC] =	sst s0  }
0x9: {  	[smem:$0x3FAD] =	sst s1  }
0xa: {  	[smem:$0x3FAE] =	sst s2  }
0xb: {  	[smem:$0x3FAF] =	sst s3  }
0xc: {  	[smem:$0x3FB0] =	sst s4  }
0xd: {  	[smem:$0x3FB1] =	sst s5  }
0xe: {  	[smem:$0x3FB2] =	sst s6  }
0xf: {  	[smem:$0x3FB3] =	sst s7  }
0x10: {  	[smem:$0x3FB4] =	sst s8  }
0x11: {  	[smem:$0x3FB5] =	sst s9;
	s0 =	simm.s32 @!p0 $0x0  }
0x12: {  	s1 =	sld [smem:$0x3F9B];
	s0 =	simm.s32 @p0 $0x1  }
0x13: {  	[smem:$0x3FB6] =	sst s0;
	s0 =	simm.s32 @!p1 $0x0  }
0x14: {  	s2 =	sld [smem:$0x3F9A];
	s0 =	simm.s32 @p1 $0x1  }
0x15: {  	[smem:$0x3FB7] =	sst s0;
	s0 =	simm.s32 @!p2 $0x0  }
0x16: {  	s3 =	sld [smem:$0x3FDB];
	s0 =	simm.s32 @p2 $0x1  }
0x17: {  	s4 =	simm.s32 $0x1BF5;
	[smem:$0x3FB9] =	sst s0  }
0x18: {  	s0 =	sld [smem:$0x3F9C];
	_ =	swait.ge [sflag:s4], $0x0  }
0x19: {  	s7 =	sld [smem:$0x3F9D]  }
0x1a: {  	s8 =	sadd.s32 $0xFFFFE003, lr  }
0x1b: {  	s9 =	sadd.s32 $0xFFFFFEF7, lr;
	s5 =	simm.s32 $0xFFFFFFFF;
	p2 =	slt.u32 s8, $0xFFFFF086  }
0x1c: {  	p1 =	slt.u32 s9, $0xF7A;
	s5 =	simm.s32 @!p2 $0x0  }
0x1d: {  	s5 =	simm.s32 @p1 $0x1;
	p0 =	seq.s32 s7, s2  }
0x1e: {  	s7 =	smul.u32 @!p0 $0xF7A, s2;
	p2 =	seq.s32 @!p0 s5, $0x0  }
0x1f: {  	s9 =	smul.u32 $0xF7A, s1;
	s8 =	simm.s32 @!p0 $0x1BF5;
	p2 =	por !p2, p0  }
0x20: {  	[sflag:s8] =	ssyncset.s32 @!p0 $0xFFFFF086;
	s6 =	sadd.s32 @!p0 s3, s7;
	s7 =	simm.s32 @!p0 $0x108  }
0x21: {  	s3 =	sadd.s32 s3, s9;
	s6 =	sadd.s32 @!p0 $0x88, s6;
	s7 =	simm.s32 @p2 $0x1082  }
0x22: {  	[simem:s7], [sflag:s8] =	dma.local @!p0 [hbm:s6], $0xF7A  }
0x23: {  	s9 =	sor.u32 $0xD0000000, s2;
	s6 =	simm.s32 $0x108;
	_ =	swait.ge @!p0 [sflag:s8], $0x0  }
0x24: {  	s3 =	sadd.s32 $0x88, s3;
	s6 =	simm.s32 @!p1 $0x1082;
	[sflag:s4] =	ssyncset.s32 $0xFFFFF086  }
0x25: {  	[simem:s6], [sflag:s4] =	dma.local [hbm:s3], $0xF7A  }
0x26: {  	[smem:$0x3F9D] =	sst s1;
	(tag) =	ssettag s2;
	_ =	strace s9  }
0x27: {  	s1 =	sld [smem:$0x3FAD]  }
0x28: {  	s2 =	sld [smem:$0x3FAE]  }
0x29: {  	s4 =	sld [smem:$0x3FB0]  }
0x2a: {  	p0 =	seq.s32 s5, $0x0;
	s5 =	sld [smem:$0x3FB1]  }
0x2b: {  	s6 =	sld [smem:$0x3FB2]  }
0x2c: {  	s7 =	sld [smem:$0x3FB3]  }
0x2d: {  	s3 =	simm.s32 $0x108;
	s8 =	sld [smem:$0x3FB4]  }
0x2e: {  	s3 =	simm.s32 @!p0 $0x1082;
	s9 =	sld [smem:$0x3FB5]  }
0x2f: {  	lr =	sadd.s32 s0, s3;
	s0 =	sld [smem:$0x3FAC]  }
0x30: {  	s3 =	sld [smem:$0x3FAF]  }
0x31: {  	[smem:$0x3FB8] =	sst s10  }
0x32: {  	s10 =	sld [smem:$0x3FB6];
	_ =	sdelay $0x3  }
0x33: {  	p0 =	seq.s32 s10, $0x1;
	s10 =	sld [smem:$0x3FB8];
	_ =	sdelay $0x3  }
0x34: {  	[smem:$0x3FB8] =	sst s10  }
0x35: {  	s10 =	sld [smem:$0x3FB7];
	_ =	sdelay $0x3  }
0x36: {  	p1 =	seq.s32 s10, $0x1;
	s10 =	sld [smem:$0x3FB8];
	_ =	sdelay $0x3  }
0x37: {  	[smem:$0x3FB8] =	sst s10  }
0x38: {  	s10 =	sld [smem:$0x3FB9]  }
0x39: {  	_ = 	snop;
	(pc) =	sbr.ind lr, $3  }
0x3a: {  	_ = 	snop  }
0x3b: {  	_ = 	snop  }
0x3c: {  	p2 =	seq.s32 s10, $0x1;
	s10 =	sld [smem:$0x3FB8]  }
0x3d: {  	_ =	shalt  }
0x3e: {  	_ =	shalt  }
0x3f: {  	_ =	shalt  }
0x40: {  	_ =	shalt  }
0x41: {  	_ =	shalt  }
0x42: {  	_ =	shalt  }
0x43: {  	_ =	shalt  }
0x44: {  	_ =	shalt  }
0x45: {  	_ =	shalt  }
0x46: {  	_ =	shalt  }
0x47: {  	_ =	shalt  }
0x48: {  	_ =	shalt  }
0x49: {  	_ =	shalt  }
0x4a: {  	_ =	shalt  }
0x4b: {  	_ =	shalt  }
0x4c: {  	_ =	shalt  }
0x4d: {  	_ =	shalt  }
0x4e: {  	_ =	shalt  }
0x4f: {  	_ =	shalt  }
0x50: {  	_ =	shalt  }
0x51: {  	_ =	shalt  }
0x52: {  	_ =	shalt  }
0x53: {  	_ =	shalt  }
0x54: {  	_ =	shalt  }
0x55: {  	_ =	shalt  }
0x56: {  	_ =	shalt  }
0x57: {  	_ =	shalt  }
0x58: {  	_ =	shalt  }
0x59: {  	_ =	shalt  }
0x5a: {  	_ =	shalt  }
0x5b: {  	_ =	shalt  }
0x5c: {  	_ =	shalt  }
0x5d: {  	_ =	shalt  }
0x5e: {  	_ =	shalt  }
0x5f: {  	_ =	shalt  }
0x60: {  	_ =	shalt  }
0x61: {  	_ =	shalt  }
0x62: {  	_ =	shalt  }
0x63: {  	_ =	shalt  }
0x64: {  	_ =	shalt  }
0x65: {  	_ =	shalt  }
0x66: {  	_ =	shalt  }
0x67: {  	_ =	shalt  }
0x68: {  	_ =	shalt  }
0x69: {  	_ =	shalt  }
0x6a: {  	_ =	shalt  }
0x6b: {  	_ =	shalt  }
0x6c: {  	_ =	shalt  }
0x6d: {  	_ =	shalt  }
0x6e: {  	_ =	shalt  }
0x6f: {  	_ =	shalt  }
0x70: {  	_ =	shalt  }
0x71: {  	_ =	shalt  }
0x72: {  	_ =	shalt  }
0x73: {  	_ =	shalt  }
0x74: {  	_ =	shalt  }
0x75: {  	_ =	shalt  }
0x76: {  	_ =	shalt  }
0x77: {  	_ =	shalt  }
0x78: {  	_ =	shalt  }
0x79: {  	_ =	shalt  }
0x7a: {  	_ =	shalt  }
0x7b: {  	_ =	shalt  }
0x7c: {  	_ =	shalt  }
0x7d: {  	_ =	shalt  }
0x7e: {  	_ =	shalt  }
0x7f: {  	_ =	shalt  }
0x80: {  	_ =	shalt  }
0x81: {  	_ =	shalt  }
0x82: {  	_ =	shalt  }
0x83: {  	_ =	shalt  }
0x84: {  	_ =	shalt  }
0x85: {  	_ =	shalt  }
0x86: {  	_ =	shalt  }
0x87: {  	_ =	shalt  }
.Lfunc_end0:
.L_simem_size_0:
called_computation_lowered:
.L_overlay_start_0:
0x88: {  	s2 =	sld [smem:$0x3FD9]  }
0x89: {  	s3 =	sld [smem:$0x3FFE];
	_ =	sdelay $0x1  }
0x8a: {  	s1 =	srdreg.scid  }
0x8b: {  	s0 =	sand.u32 $0x1, s1  }
0x8c: {  	s17 =	sshll.u32 s0, $0xA;
	s2 =	sadd.s32 s3, s2  }
0x8d: {  	s2 =	sadd.s32 s2, s17  }
0x8e: {  	[smem:$0x3FC4] =	sst s2  }
0x8f: {  	_ = 	snop  }
0x90: {  	s2 =	sld [smem:$0x3FC9];
	(tm) =	ssettm $0x1  }
0x91: {  	s18 =	sld [smem:$0x3FFB];
	_ =	sdelay $0x3  }
0x92: {  	_ =	strace s18  }
0x93: {  	s3 =	sld [smem:$0x3FFC];
	_ =	sdelay $0x3  }
0x94: {  	_ =	strace s3  }
0x95: {  	s3 =	sld [smem:$0x3FFD];
	_ =	sdelay $0x3  }
0x96: {  	_ =	strace s3  }
0x97: {  	_ =	strace $0x8FFFFFFF  }
0x98: {  	s19 =	sld [smem:$0x3FDB];
	_ =	sdelay $0x1  }
0x99: {  	s4 =	simm.s32 $_scs_section_size  }
0x9a: {  	s5 =	simm.s32 $_size__tile_overlayer_lowered;
	s6 =	simm.s32 $_tile_overlayer_lowered  }
0x9b: {  	s22 =	simm.s32 $0x1BFF;
	s21 =	sshll.u32 s6, $0x1;
	s3 =	sadd.s32 s4, s19  }
0x9c: {  	s7 =	simm.s32 $0x0;
	s20 =	sshll.u32 s5, $0x1;
	s5 =	sadd.s32 s21, s3  }
0x9d: {  	[timem:s7], [sflag:s22] =	dma.local [hbm:s5], s20  }
0x9e: {  	_ =	swait.ge [sflag:s22], s20  }
0x9f: {  	s4 =	ssub.s32 $0x0, s20;
	[sflag:s22] =	ssyncset.done $0x0  }
0xa0: {  	[sflag:s22] =	ssyncadd.s32 s4;
	_ =	sdelay $0x1  }
0xa1: {  	s23 =	simm.s32 $0x1B8B  }
0xa2: {  	_ =	swait.ge [sflag:s23], $0x1  }
0xa3: {  	[sflag:s23] =	ssyncset.done $0x0  }
0xa4: {  	s25 =	simm.s32 $0x1B8E;
	s24 =	sld [smem:$0x3FFE];
	[sflag:s23] =	ssyncadd.s32 $0xFFFFFFFF  }
0xa5: {  	s26 =	simm.s32 $execute0_lowered;
	[smem:$0x3FD2] =	sst s25  }
0xa6: {  	s5 =	sshll.u32 s26, $0x1;
	_ =	strace $0x80000046;
	[dreg:$0x1] =	wrdreg $0xFFFFFFFF  }
0xa7: {  	s28 =	simm.s32 $_size_execute0_lowered;
	s3 =	sadd.s32 s3, s5;
	[dreg:$0x0] =	wrdreg $0x0  }
0xa8: {  	s5 =	sshll.u32 s28, $0x1;
	[dreg:$0x2] =	wrdreg s3  }
0xa9: {  	[dreg:$0x3] =	wrdreg s5  }
0xaa: {  	[dreg:$0x4] =	wrdreg $0xC0  }
0xab: {  	_ =	task [dreg:s7], $0x5FFFF  }
0xac: {  	[dreg:$0x1] =	wrdreg $0xFFFFFFFF  }
0xad: {  	[dreg:$0x0] =	wrdreg $0x60  }
0xae: {  	[dreg:$0x2] =	wrdreg s2  }
0xaf: {  	[dreg:$0x3] =	wrdreg s24  }
0xb0: {  	[dreg:$0x4] =	wrdreg $0x9  }
0xb1: {  	_ =	task.clear_ibuf [dreg:s7], $0x5FFFF;
	_ =	strace $0x90000046  }
0xb2: {  	s29 =	simm.s32 $0x9;
	_ =	strace $0x80000048  }
0xb3: {  	_ =	swait.ge [sflag:s29], $0x1  }
0xb4: {  	[sflag:s29] =	ssyncadd.s32 $0xFFFFFFFF  }
0xb5: {  	_ =	strace $0x90000048  }
0xb6: {  	_ =	sfence  }
0xb7: {  	s30 =	sld [smem:$0x0];
	_ =	sdelay $0x2  }
0xb8: {  	s31 =	sshll.u32 s1, $0xD;
	s1 =	sshrl.u32 s1, $0x2  }
0xb9: {  	s3 =	sand.u32 $0x4000, s31;
	s1 =	sadd.s32 s1, s30  }
0xba: {  	s0 =	sor.u32 s3, s0;
	s1 =	sshll.u32 s1, $0x11  }
0xbb: {  	s0 =	sor.u32 s1, s0  }
0xbc: {  	s0 =	sadd.s32 $0x8F2B, s0  }
0xbd: {  	[sflag:s0] =	ssyncadd.remote.s32 $0x1  }
0xbe: {  	_ =	sfence.sel $0xFFFF  }
0xbf: {  	[dreg:$0x0] =	wrdreg $0xFFFFFFFF;
	(pc) =	sbr.abs _section_cstart, $3  }
0xc0: {  	[dreg:$0x1] =	wrdreg $0xFFFFFFFF  }
0xc1: {  	_ =	task.clear_ibuf [dreg:s7], $0x2FFFF;
	_ =	strace $0x9FFFFFFF  }
0xc2: {  	(tm) =	ssettm $0x7FFFFFFF  }
0xc3: {  	_ =	shalt  }
tec
execute0_lowered:
.L_overlay_start_1:
0x0: {  	(tag) =	ssettag $0x1  }
0x1: {  	s0 =	rddreg [dreg:$0x0]  }
0x2: {  	s1 =	rddreg [dreg:$0x1];
	s2 =	simm.s32 $0x0  }
0x3: {  	s3 =	srdreg.scid;
	s4 =	stileid.u32;
	s9 =	simm.s32 $0x2  }
0x4: {  	s19 =	simm.s32 $0x1;
	s21 =	simm.s32 $0x900;
	s22 =	simm.s32 $0x1100  }
0x5: {  	s23 =	simm.s32 $0x1900;
	s24 =	simm.s32 $0x2100;
	s25 =	simm.s32 $0x2900  }
0x6: {  	s28 =	simm.s32 $0x3900;
	s29 =	simm.s32 $0x4100;
	s30 =	simm.s32 $0x4900  }
0x7: {  	s31 =	simm.s32 $0x5100;
	s11 =	simm.s32 $0x6900;
	s12 =	simm.s32 $0x7100  }
0x8: {  	s13 =	simm.s32 $0x8100;
	s14 =	simm.s32 $0x8900;
	s15 =	simm.s32 $0x9100  }
0x9: {  	s16 =	simm.s32 $0x9900;
	s17 =	simm.s32 $0xA100;
	s18 =	simm.s32 $0xA900  }
0xa: {  	s10 =	simm.s32 $0xB100;
	[smem:$0x7FF] =	sst s2;
	s3 =	sand.u32 $0x1, s3  }
0xb: {  	s4 =	sshll.u32 s4, $0x1;
	_ =	strace $0x80000047;
	s5 =	ssub.s32 $0x2, s3  }
0xc: {  	s4 =	sor.u32 s3, s4;
	s3 =	sadd.s32 $0x200, s1;
	s6 =	sshrl.u32 s5, $0x1  }
0xd: {  	s7 =	sshll.u32 s4, $0x4;
	s4 =	sshll.u32 s4, $0xE;
	s8 =	ssub.s32 s5, s6  }
0xe: {  	s26 =	sadd.s32 s1, s7;
	s0 =	sadd.s32 s0, s4;
	s5 =	sadd.s32 $0x300, s1  }
0xf: {  	v2 =	vlaneseq.u32;
	s6 =	sadd.s32 $0x400, s1;
	s7 =	sadd.s32 $0x500, s1;
	[dreg:$0x3] =	wrdreg s26  }
0x10: {  	vm0 =	vmmov $0xffff;
	v1 =	vshrl.u32 v2, $0x3;
	s4 =	simm.s32 $0x7900;
	[dreg:$0x5] =	wrdreg s0;
	s0 =	sadd.s32 $0x2000, s0  }
0x11: {  	v0 =	vand.u32 $0x7, v2;
	v2 =	vor.u32 $0x8, v2;
	v1 =	vmul.u32 $0x8, v1;
	s8 =	smax.u32 s8, $0x1;
	s26 =	simm.s32 $0x3100;
	[dreg:$0x4] =	wrdreg s0  }
.LBB2_1:
0x12: {  	s20 =	rddreg [dreg:$0x3]  }
0x13: {  	[tilespmem:s2], [sflag:$0x2] =	stream.linear.gather [hbm4b:s20+s2], $0x80, $0x38;
	[tilespmem:$0x10100] =	vst v63  }
0x14: {  	_ =	swait.ge [sflag:s9], $0x80  }
0x15: {  	[sflag:s9] =	ssyncset.done $0x0  }
0x16: {  	[sflag:s9] =	ssyncadd.s32 $0xFFFFFF80  }
0x17: {  	v3 =	vld [tilespmem:$0x0]  }
0x18: {  	v4 =	vld [tilespmem:$0x10]  }
0x19: {  	v5 =	vld [tilespmem:$0x20]  }
0x1a: {  	v6 =	vld [tilespmem:$0x30];
	_ =	sdelay $0x1  }
0x1b: {  	[tilespmem:$0x80] =	vst v3  }
0x1c: {  	[tilespmem:$0x90] =	vst v4  }
0x1d: {  	[tilespmem:$0xA0] =	vst v5  }
0x1e: {  	s0 =	simm.s32 $0x100;
	s1 =	rddreg [dreg:$0x5];
	[tilespmem:$0xB0] =	vst v6  }
0x1f: {  	[tilespmem:s0], [sflag:$0x2] =	stream.linear.gather [hbm4b:s1+s2], $0x10000, $0x38;
	[tilespmem:$0x10100] =	vst v63  }
0x20: {  	_ =	swait.ge [sflag:s9], $0x10000  }
0x21: {  	[sflag:s9] =	ssyncset.done $0x0  }
0x22: {  	[sflag:s9] =	ssyncadd.s32 $0xFFFF0000  }
0x23: {  	v3 =	vld [tilespmem:$0x80];
	_ =	sdelay $0x4  }
0x24: {  	v53 =	vshll.u32 v3, $0x3  }
0x25: {  	v3 =	vand.u32 $0x7, v3;
	v4 =	vand.u32 $0xFFFFFFC0, v53  }
0x26: {  	v3 =	vor.u32 v3, v4  }
0x27: {  	v4 =	vperm.xlane v3, v0;
	_ =	sdelay $0x1  }
0x28: {  	v4 =	vadd.s32 v1, v4;
	_ =	sdelay $0x4  }
0x29: {  	[hbm4b:s3+s2] =	stream.indirect_vreg.scatter [tilespmem:s0], [sflag:$0x1], $0x80, v4, vm0, $0xb8;
	[tilespmem:$0x10100] =	vst v63  }
0x2a: {  	v3 =	vperm.xlane v3, v2  }
0x2b: {  	[hbm4b:s5+s2] =	stream.indirect_vreg.scatter [tilespmem:s21], [sflag:$0x1], $0x80, v4, vm0, $0xb8;
	[tilespmem:$0x10100] =	vst v63  }
0x2c: {  	v3 =	vadd.s32 v1, v3  }
0x2d: {  	[hbm4b:s6+s2] =	stream.indirect_vreg.scatter [tilespmem:s22], [sflag:$0x1], $0x80, v4, vm0, $0xb8;
	[tilespmem:$0x10100] =	vst v63  }
0x2e: {  	_ = 	snop  }
0x2f: {  	[hbm4b:s7+s2] =	stream.indirect_vreg.scatter [tilespmem:s23], [sflag:$0x1], $0x80, v4, vm0, $0xb8;
	[tilespmem:$0x10100] =	vst v63  }
0x30: {  	_ = 	snop  }
0x31: {  	[hbm4b:s3+s2] =	stream.indirect_vreg.scatter [tilespmem:s24], [sflag:$0x1], $0x80, v3, vm0, $0xb8;
	[tilespmem:$0x10100] =	vst v63  }
0x32: {  	_ = 	snop  }
0x33: {  	[hbm4b:s5+s2] =	stream.indirect_vreg.scatter [tilespmem:s25], [sflag:$0x1], $0x80, v3, vm0, $0xb8;
	[tilespmem:$0x10100] =	vst v63  }
0x34: {  	_ = 	snop  }
0x35: {  	[hbm4b:s6+s2] =	stream.indirect_vreg.scatter [tilespmem:s26], [sflag:$0x1], $0x80, v3, vm0, $0xb8;
	[tilespmem:$0x10100] =	vst v63  }
0x36: {  	_ = 	snop  }
0x37: {  	[hbm4b:s7+s2] =	stream.indirect_vreg.scatter [tilespmem:s28], [sflag:$0x1], $0x80, v3, vm0, $0xb8;
	[tilespmem:$0x10100] =	vst v63  }
0x38: {  	v3 =	vld [tilespmem:$0x90];
	_ =	sdelay $0x4  }
0x39: {  	v54 =	vshll.u32 v3, $0x3  }
0x3a: {  	v3 =	vand.u32 $0x7, v3;
	v4 =	vand.u32 $0xFFFFFFC0, v54  }
0x3b: {  	v3 =	vor.u32 v3, v4  }
0x3c: {  	v4 =	vperm.xlane v3, v0;
	_ =	sdelay $0x1  }
0x3d: {  	v4 =	vadd.s32 v1, v4;
	_ =	sdelay $0x4  }
0x3e: {  	[hbm4b:s3+s2] =	stream.indirect_vreg.scatter [tilespmem:s29], [sflag:$0x1], $0x80, v4, vm0, $0xb8;
	[tilespmem:$0x10100] =	vst v63  }
0x3f: {  	v3 =	vperm.xlane v3, v2  }
0x40: {  	[hbm4b:s5+s2] =	stream.indirect_vreg.scatter [tilespmem:s30], [sflag:$0x1], $0x80, v4, vm0, $0xb8;
	[tilespmem:$0x10100] =	vst v63  }
0x41: {  	v3 =	vadd.s32 v1, v3  }
0x42: {  	[hbm4b:s6+s2] =	stream.indirect_vreg.scatter [tilespmem:s31], [sflag:$0x1], $0x80, v4, vm0, $0xb8;
	[tilespmem:$0x10100] =	vst v63  }
0x43: {  	s1 =	simm.s32 $0x5900  }
0x44: {  	[hbm4b:s7+s2] =	stream.indirect_vreg.scatter [tilespmem:s1], [sflag:$0x1], $0x80, v4, vm0, $0xb8;
	[tilespmem:$0x10100] =	vst v63  }
0x45: {  	s1 =	simm.s32 $0x6100  }
0x46: {  	[hbm4b:s3+s2] =	stream.indirect_vreg.scatter [tilespmem:s1], [sflag:$0x1], $0x80, v3, vm0, $0xb8;
	[tilespmem:$0x10100] =	vst v63  }
0x47: {  	_ = 	snop  }
0x48: {  	[hbm4b:s5+s2] =	stream.indirect_vreg.scatter [tilespmem:s11], [sflag:$0x1], $0x80, v3, vm0, $0xb8;
	[tilespmem:$0x10100] =	vst v63  }
0x49: {  	_ = 	snop  }
0x4a: {  	[hbm4b:s6+s2] =	stream.indirect_vreg.scatter [tilespmem:s12], [sflag:$0x1], $0x80, v3, vm0, $0xb8;
	[tilespmem:$0x10100] =	vst v63  }
0x4b: {  	_ = 	snop  }
0x4c: {  	[hbm4b:s7+s2] =	stream.indirect_vreg.scatter [tilespmem:s4], [sflag:$0x1], $0x80, v3, vm0, $0xb8;
	[tilespmem:$0x10100] =	vst v63  }
0x4d: {  	v3 =	vld [tilespmem:$0xA0];
	_ =	sdelay $0x4  }
0x4e: {  	v55 =	vshll.u32 v3, $0x3  }
0x4f: {  	v3 =	vand.u32 $0x7, v3;
	v4 =	vand.u32 $0xFFFFFFC0, v55  }
0x50: {  	v3 =	vor.u32 v3, v4  }
0x51: {  	v4 =	vperm.xlane v3, v0;
	_ =	sdelay $0x1  }
0x52: {  	v4 =	vadd.s32 v1, v4;
	_ =	sdelay $0x4  }
0x53: {  	[hbm4b:s3+s2] =	stream.indirect_vreg.scatter [tilespmem:s13], [sflag:$0x1], $0x80, v4, vm0, $0xb8;
	[tilespmem:$0x10100] =	vst v63  }
0x54: {  	v3 =	vperm.xlane v3, v2  }
0x55: {  	[hbm4b:s5+s2] =	stream.indirect_vreg.scatter [tilespmem:s14], [sflag:$0x1], $0x80, v4, vm0, $0xb8;
	[tilespmem:$0x10100] =	vst v63  }
0x56: {  	v3 =	vadd.s32 v1, v3  }
0x57: {  	[hbm4b:s6+s2] =	stream.indirect_vreg.scatter [tilespmem:s15], [sflag:$0x1], $0x80, v4, vm0, $0xb8;
	[tilespmem:$0x10100] =	vst v63  }
0x58: {  	_ = 	snop  }
0x59: {  	[hbm4b:s7+s2] =	stream.indirect_vreg.scatter [tilespmem:s16], [sflag:$0x1], $0x80, v4, vm0, $0xb8;
	[tilespmem:$0x10100] =	vst v63  }
0x5a: {  	_ = 	snop  }
0x5b: {  	[hbm4b:s3+s2] =	stream.indirect_vreg.scatter [tilespmem:s17], [sflag:$0x1], $0x80, v3, vm0, $0xb8;
	[tilespmem:$0x10100] =	vst v63  }
0x5c: {  	_ = 	snop  }
0x5d: {  	[hbm4b:s5+s2] =	stream.indirect_vreg.scatter [tilespmem:s18], [sflag:$0x1], $0x80, v3, vm0, $0xb8;
	[tilespmem:$0x10100] =	vst v63  }
0x5e: {  	_ = 	snop  }
0x5f: {  	[hbm4b:s6+s2] =	stream.indirect_vreg.scatter [tilespmem:s10], [sflag:$0x1], $0x80, v3, vm0, $0xb8;
	[tilespmem:$0x10100] =	vst v63  }
0x60: {  	s20 =	simm.s32 $0xB900  }
0x61: {  	[hbm4b:s7+s2] =	stream.indirect_vreg.scatter [tilespmem:s20], [sflag:$0x1], $0x80, v3, vm0, $0xb8;
	[tilespmem:$0x10100] =	vst v63  }
0x62: {  	v3 =	vld [tilespmem:$0xB0];
	_ =	sdelay $0x4  }
0x63: {  	v56 =	vshll.u32 v3, $0x3  }
0x64: {  	v3 =	vand.u32 $0x7, v3;
	v4 =	vand.u32 $0xFFFFFFC0, v56  }
0x65: {  	v3 =	vor.u32 v3, v4  }
0x66: {  	v4 =	vperm.xlane v3, v0;
	_ =	sdelay $0x1  }
0x67: {  	v4 =	vadd.s32 v1, v4;
	_ =	sdelay $0x3  }
0x68: {  	s20 =	simm.s32 $0xC100  }
0x69: {  	[hbm4b:s3+s2] =	stream.indirect_vreg.scatter [tilespmem:s20], [sflag:$0x1], $0x80, v4, vm0, $0xb8;
	[tilespmem:$0x10100] =	vst v63  }
0x6a: {  	v3 =	vperm.xlane v3, v2;
	s20 =	simm.s32 $0xC900  }
0x6b: {  	[hbm4b:s5+s2] =	stream.indirect_vreg.scatter [tilespmem:s20], [sflag:$0x1], $0x80, v4, vm0, $0xb8;
	[tilespmem:$0x10100] =	vst v63  }
0x6c: {  	v3 =	vadd.s32 v1, v3;
	s20 =	simm.s32 $0xD100  }
0x6d: {  	[hbm4b:s6+s2] =	stream.indirect_vreg.scatter [tilespmem:s20], [sflag:$0x1], $0x80, v4, vm0, $0xb8;
	[tilespmem:$0x10100] =	vst v63  }
0x6e: {  	s20 =	simm.s32 $0xD900  }
0x6f: {  	[hbm4b:s7+s2] =	stream.indirect_vreg.scatter [tilespmem:s20], [sflag:$0x1], $0x80, v4, vm0, $0xb8;
	[tilespmem:$0x10100] =	vst v63  }
0x70: {  	s20 =	simm.s32 $0xE100  }
0x71: {  	[hbm4b:s3+s2] =	stream.indirect_vreg.scatter [tilespmem:s20], [sflag:$0x1], $0x80, v3, vm0, $0xb8;
	[tilespmem:$0x10100] =	vst v63  }
0x72: {  	s20 =	simm.s32 $0xE900  }
0x73: {  	[hbm4b:s5+s2] =	stream.indirect_vreg.scatter [tilespmem:s20], [sflag:$0x1], $0x80, v3, vm0, $0xb8;
	[tilespmem:$0x10100] =	vst v63  }
0x74: {  	s20 =	simm.s32 $0xF100  }
0x75: {  	[hbm4b:s6+s2] =	stream.indirect_vreg.scatter [tilespmem:s20], [sflag:$0x1], $0x80, v3, vm0, $0xb8;
	[tilespmem:$0x10100] =	vst v63  }
0x76: {  	s20 =	simm.s32 $0xF900  }
0x77: {  	[hbm4b:s7+s2] =	stream.indirect_vreg.scatter [tilespmem:s20], [sflag:$0x1], $0x80, v3, vm0, $0xb8;
	[tilespmem:$0x10100] =	vst v63  }
0x78: {  	_ =	swait.ge [sflag:s19], $0x10000  }
0x79: {  	[sflag:s19] =	ssyncset.done $0x0  }
0x7a: {  	[sflag:s19] =	ssyncadd.s32 $0xFFFF0000  }
0x7b: {  	v3 =	vld [tilespmem:$0x40]  }
0x7c: {  	v57 =	vld [tilespmem:$0x50]  }
0x7d: {  	v58 =	vld [tilespmem:$0x60]  }
0x7e: {  	v59 =	vld [tilespmem:$0x70];
	_ =	sdelay $0x1  }
0x7f: {  	[tilespmem:$0x80] =	vst v3  }
0x80: {  	[tilespmem:$0x90] =	vst v57  }
0x81: {  	[tilespmem:$0xA0] =	vst v58  }
0x82: {  	s20 =	rddreg [dreg:$0x4];
	[tilespmem:$0xB0] =	vst v59  }
0x83: {  	[tilespmem:s0], [sflag:$0x2] =	stream.linear.gather [hbm4b:s20+s2], $0x10000, $0x38;
	[tilespmem:$0x10100] =	vst v63  }
0x84: {  	_ =	swait.ge [sflag:s9], $0x10000  }
0x85: {  	[sflag:s9] =	ssyncset.done $0x0  }
0x86: {  	[sflag:s9] =	ssyncadd.s32 $0xFFFF0000  }
0x87: {  	v3 =	vld [tilespmem:$0x80];
	_ =	sdelay $0x4  }
0x88: {  	v60 =	vshll.u32 v3, $0x3  }
0x89: {  	v3 =	vand.u32 $0x7, v3;
	v4 =	vand.u32 $0xFFFFFFC0, v60  }
0x8a: {  	v3 =	vor.u32 v3, v4  }
0x8b: {  	v4 =	vperm.xlane v3, v0;
	_ =	sdelay $0x1  }
0x8c: {  	v4 =	vadd.s32 v1, v4;
	_ =	sdelay $0x4  }
0x8d: {  	[hbm4b:s3+s2] =	stream.indirect_vreg.scatter [tilespmem:s0], [sflag:$0x1], $0x80, v4, vm0, $0xb8;
	[tilespmem:$0x10100] =	vst v63  }
0x8e: {  	v3 =	vperm.xlane v3, v2  }
0x8f: {  	[hbm4b:s5+s2] =	stream.indirect_vreg.scatter [tilespmem:s21], [sflag:$0x1], $0x80, v4, vm0, $0xb8;
	[tilespmem:$0x10100] =	vst v63  }
0x90: {  	v3 =	vadd.s32 v1, v3  }
0x91: {  	[hbm4b:s6+s2] =	stream.indirect_vreg.scatter [tilespmem:s22], [sflag:$0x1], $0x80, v4, vm0, $0xb8;
	[tilespmem:$0x10100] =	vst v63  }
0x92: {  	_ = 	snop  }
0x93: {  	[hbm4b:s7+s2] =	stream.indirect_vreg.scatter [tilespmem:s23], [sflag:$0x1], $0x80, v4, vm0, $0xb8;
	[tilespmem:$0x10100] =	vst v63  }
0x94: {  	_ = 	snop  }
0x95: {  	[hbm4b:s3+s2] =	stream.indirect_vreg.scatter [tilespmem:s24], [sflag:$0x1], $0x80, v3, vm0, $0xb8;
	[tilespmem:$0x10100] =	vst v63  }
0x96: {  	_ = 	snop  }
0x97: {  	[hbm4b:s5+s2] =	stream.indirect_vreg.scatter [tilespmem:s25], [sflag:$0x1], $0x80, v3, vm0, $0xb8;
	[tilespmem:$0x10100] =	vst v63  }
0x98: {  	_ = 	snop  }
0x99: {  	[hbm4b:s6+s2] =	stream.indirect_vreg.scatter [tilespmem:s26], [sflag:$0x1], $0x80, v3, vm0, $0xb8;
	[tilespmem:$0x10100] =	vst v63  }
0x9a: {  	_ = 	snop  }
0x9b: {  	[hbm4b:s7+s2] =	stream.indirect_vreg.scatter [tilespmem:s28], [sflag:$0x1], $0x80, v3, vm0, $0xb8;
	[tilespmem:$0x10100] =	vst v63  }
0x9c: {  	v3 =	vld [tilespmem:$0x90];
	_ =	sdelay $0x4  }
0x9d: {  	v61 =	vshll.u32 v3, $0x3  }
0x9e: {  	v3 =	vand.u32 $0x7, v3;
	v4 =	vand.u32 $0xFFFFFFC0, v61  }
0x9f: {  	v3 =	vor.u32 v3, v4  }
0xa0: {  	v4 =	vperm.xlane v3, v0;
	_ =	sdelay $0x1  }
0xa1: {  	v4 =	vadd.s32 v1, v4;
	_ =	sdelay $0x4  }
0xa2: {  	[hbm4b:s3+s2] =	stream.indirect_vreg.scatter [tilespmem:s29], [sflag:$0x1], $0x80, v4, vm0, $0xb8;
	[tilespmem:$0x10100] =	vst v63  }
0xa3: {  	v3 =	vperm.xlane v3, v2  }
0xa4: {  	[hbm4b:s5+s2] =	stream.indirect_vreg.scatter [tilespmem:s30], [sflag:$0x1], $0x80, v4, vm0, $0xb8;
	[tilespmem:$0x10100] =	vst v63  }
0xa5: {  	v3 =	vadd.s32 v1, v3  }
0xa6: {  	[hbm4b:s6+s2] =	stream.indirect_vreg.scatter [tilespmem:s31], [sflag:$0x1], $0x80, v4, vm0, $0xb8;
	[tilespmem:$0x10100] =	vst v63  }
0xa7: {  	s20 =	simm.s32 $0x5900  }
0xa8: {  	[hbm4b:s7+s2] =	stream.indirect_vreg.scatter [tilespmem:s20], [sflag:$0x1], $0x80, v4, vm0, $0xb8;
	[tilespmem:$0x10100] =	vst v63  }
0xa9: {  	_ = 	snop  }
0xaa: {  	[hbm4b:s3+s2] =	stream.indirect_vreg.scatter [tilespmem:s1], [sflag:$0x1], $0x80, v3, vm0, $0xb8;
	[tilespmem:$0x10100] =	vst v63  }
0xab: {  	_ = 	snop  }
0xac: {  	[hbm4b:s5+s2] =	stream.indirect_vreg.scatter [tilespmem:s11], [sflag:$0x1], $0x80, v3, vm0, $0xb8;
	[tilespmem:$0x10100] =	vst v63  }
0xad: {  	_ = 	snop  }
0xae: {  	[hbm4b:s6+s2] =	stream.indirect_vreg.scatter [tilespmem:s12], [sflag:$0x1], $0x80, v3, vm0, $0xb8;
	[tilespmem:$0x10100] =	vst v63  }
0xaf: {  	_ = 	snop  }
0xb0: {  	[hbm4b:s7+s2] =	stream.indirect_vreg.scatter [tilespmem:s4], [sflag:$0x1], $0x80, v3, vm0, $0xb8;
	[tilespmem:$0x10100] =	vst v63  }
0xb1: {  	v3 =	vld [tilespmem:$0xA0];
	_ =	sdelay $0x4  }
0xb2: {  	v62 =	vshll.u32 v3, $0x3  }
0xb3: {  	v3 =	vand.u32 $0x7, v3;
	v4 =	vand.u32 $0xFFFFFFC0, v62  }
0xb4: {  	v3 =	vor.u32 v3, v4  }
0xb5: {  	v4 =	vperm.xlane v3, v0;
	_ =	sdelay $0x1  }
0xb6: {  	v4 =	vadd.s32 v1, v4;
	_ =	sdelay $0x4  }
0xb7: {  	[hbm4b:s3+s2] =	stream.indirect_vreg.scatter [tilespmem:s13], [sflag:$0x1], $0x80, v4, vm0, $0xb8;
	[tilespmem:$0x10100] =	vst v63  }
0xb8: {  	v3 =	vperm.xlane v3, v2  }
0xb9: {  	[hbm4b:s5+s2] =	stream.indirect_vreg.scatter [tilespmem:s14], [sflag:$0x1], $0x80, v4, vm0, $0xb8;
	[tilespmem:$0x10100] =	vst v63  }
0xba: {  	v3 =	vadd.s32 v1, v3  }
0xbb: {  	[hbm4b:s6+s2] =	stream.indirect_vreg.scatter [tilespmem:s15], [sflag:$0x1], $0x80, v4, vm0, $0xb8;
	[tilespmem:$0x10100] =	vst v63  }
0xbc: {  	_ = 	snop  }
0xbd: {  	[hbm4b:s7+s2] =	stream.indirect_vreg.scatter [tilespmem:s16], [sflag:$0x1], $0x80, v4, vm0, $0xb8;
	[tilespmem:$0x10100] =	vst v63  }
0xbe: {  	_ = 	snop  }
0xbf: {  	[hbm4b:s3+s2] =	stream.indirect_vreg.scatter [tilespmem:s17], [sflag:$0x1], $0x80, v3, vm0, $0xb8;
	[tilespmem:$0x10100] =	vst v63  }
0xc0: {  	_ = 	snop  }
0xc1: {  	[hbm4b:s5+s2] =	stream.indirect_vreg.scatter [tilespmem:s18], [sflag:$0x1], $0x80, v3, vm0, $0xb8;
	[tilespmem:$0x10100] =	vst v63  }
0xc2: {  	_ = 	snop  }
0xc3: {  	[hbm4b:s6+s2] =	stream.indirect_vreg.scatter [tilespmem:s10], [sflag:$0x1], $0x80, v3, vm0, $0xb8;
	[tilespmem:$0x10100] =	vst v63  }
0xc4: {  	s20 =	simm.s32 $0xB900  }
0xc5: {  	[hbm4b:s7+s2] =	stream.indirect_vreg.scatter [tilespmem:s20], [sflag:$0x1], $0x80, v3, vm0, $0xb8;
	[tilespmem:$0x10100] =	vst v63  }
0xc6: {  	v3 =	vld [tilespmem:$0xB0];
	_ =	sdelay $0x4  }
0xc7: {  	v63 =	vshll.u32 v3, $0x3  }
0xc8: {  	v3 =	vand.u32 $0x7, v3;
	v4 =	vand.u32 $0xFFFFFFC0, v63  }
0xc9: {  	v3 =	vor.u32 v3, v4  }
0xca: {  	v4 =	vperm.xlane v3, v0;
	_ =	sdelay $0x1  }
0xcb: {  	v4 =	vadd.s32 v1, v4;
	_ =	sdelay $0x3  }
0xcc: {  	s1 =	simm.s32 $0xC100  }
0xcd: {  	[hbm4b:s3+s2] =	stream.indirect_vreg.scatter [tilespmem:s1], [sflag:$0x1], $0x80, v4, vm0, $0xb8;
	[tilespmem:$0x10100] =	vst v63  }
0xce: {  	s20 =	simm.s32 $0xC900;
	v3 =	vperm.xlane v3, v2  }
0xcf: {  	[hbm4b:s5+s2] =	stream.indirect_vreg.scatter [tilespmem:s20], [sflag:$0x1], $0x80, v4, vm0, $0xb8;
	[tilespmem:$0x10100] =	vst v63  }
0xd0: {  	v3 =	vadd.s32 v1, v3;
	s1 =	simm.s32 $0xD100  }
0xd1: {  	[hbm4b:s6+s2] =	stream.indirect_vreg.scatter [tilespmem:s1], [sflag:$0x1], $0x80, v4, vm0, $0xb8;
	[tilespmem:$0x10100] =	vst v63  }
0xd2: {  	s20 =	simm.s32 $0xD900  }
0xd3: {  	[hbm4b:s7+s2] =	stream.indirect_vreg.scatter [tilespmem:s20], [sflag:$0x1], $0x80, v4, vm0, $0xb8;
	[tilespmem:$0x10100] =	vst v63  }
0xd4: {  	s1 =	simm.s32 $0xE100  }
0xd5: {  	[hbm4b:s3+s2] =	stream.indirect_vreg.scatter [tilespmem:s1], [sflag:$0x1], $0x80, v3, vm0, $0xb8;
	[tilespmem:$0x10100] =	vst v63  }
0xd6: {  	s20 =	simm.s32 $0xE900  }
0xd7: {  	[hbm4b:s5+s2] =	stream.indirect_vreg.scatter [tilespmem:s20], [sflag:$0x1], $0x80, v3, vm0, $0xb8;
	[tilespmem:$0x10100] =	vst v63  }
0xd8: {  	p0 =	sne.s32 s8, $0x1;
	s1 =	simm.s32 $0xF100  }
0xd9: {  	[hbm4b:s6+s2] =	stream.indirect_vreg.scatter [tilespmem:s1], [sflag:$0x1], $0x80, v3, vm0, $0xb8;
	[tilespmem:$0x10100] =	vst v63  }
.Ltmp0:
0xda: {  	s20 =	simm.s32 $0xF900;
	(pc) =	sbr.rel @p0 .LBB2_1-.Ltmp0, $4  }
0xdb: {  	[hbm4b:s7+s2] =	stream.indirect_vreg.scatter [tilespmem:s20], [sflag:$0x1], $0x80, v3, vm0, $0xb8;
	[tilespmem:$0x10100] =	vst v63  }
0xdc: {  	_ =	swait.ge [sflag:s19], $0x10000  }
0xdd: {  	[sflag:s19] =	ssyncset.done $0x0  }
0xde: {  	s8 =	sadd.s32 $0xFFFFFFFF, s8;
	[sflag:s19] =	ssyncadd.s32 $0xFFFF0000  }
0xdf: {  	_ =	sfence.sel $0x180000  }
0xe0: {  	[bflag:$0x0] =	sbarrier.arrive $0xFFFF  }
0xe1: {  	_ =	strace $0x90000047  }
0xe2: {  	s0 =	stileid.u32;
	[bflag:$0x2] =	sbarrier.arrive $0xFFFF  }
0xe3: {  	p0 =	sne.s32 s0, $0x0;
	s0 =	rddreg [dreg:$0x2]  }
0xe4: {  	s0 =	sadd.s32 @!p0 $0x100000, s0  }
0xe5: {  	[sflag:s0] =	ssyncadd.tile.s32 @!p0 $0x1;
	_ =	shalt  }
.Lfunc_end2:
_tile_overlayer_lowered:
.L_overlay_start_2:
0xe6: {  	(tag) =	ssettag $0x2  }
0xe7: {  	s0 =	rddreg [dreg:$0x0];
	s2 =	stileid.u32  }
0xe8: {  	s1 =	rddreg [dreg:$0x1];
	p0 =	sne.s32 s2, $0x0  }
0xe9: {  	s3 =	rddreg [dreg:$0x2];
	[bflag:$0x3] =	sbarrier.arrive $0xFFFF;
	s2 =	simm.s32 @!p0 $0x1C02  }
0xea: {  	[timem:s3], [sflag:s2] =	dma.local @!p0 [hbm:s0], s1  }
0xeb: {  	s0 =	simm.s32 @!p0 $0x2  }
0xec: {  	_ =	swait.ge @!p0 [sflag:s0], s1  }
0xed: {  	s1 =	ssub.s32 @!p0 $0x0, s1;
	[sflag:s0] =	ssyncset.done @!p0 $0x0  }
0xee: {  	[sflag:s0] =	ssyncadd.s32 @!p0 s1  }
0xef: {  	[bflag:$0x3] =	sbarrier.arrive $0xFFFF  }
0xf0: {  	_ =	shalt  }

// kernel: kernel.9.cloned.1.call-start
scs
__scs_entry_jumppad:
0x0: {  	(pc) =	sbr.rel $0x88, $3  }
0x1: {  	(tag) =	ssettag $0x0;
	lr =	simm.s32 $0x1  }
0x2: {  	[smem:$0x3F9D] =	sst lr;
	_ =	strace $0xD0000000  }
0x3: {  	_ = 	snop  }
0x4: {  	_ = 	snop  }
0x5: {  	_ = 	snop  }
0x6: {  	_ = 	snop  }
0x7: {  	_ = 	snop  }
__scs_overlays_trampoline_lowered:
0x8: {  	[smem:$0x3FAC] =	sst s0  }
0x9: {  	[smem:$0x3FAD] =	sst s1  }
0xa: {  	[smem:$0x3FAE] =	sst s2  }
0xb: {  	[smem:$0x3FAF] =	sst s3  }
0xc: {  	[smem:$0x3FB0] =	sst s4  }
0xd: {  	[smem:$0x3FB1] =	sst s5  }
0xe: {  	[smem:$0x3FB2] =	sst s6  }
0xf: {  	[smem:$0x3FB3] =	sst s7  }
0x10: {  	[smem:$0x3FB4] =	sst s8  }
0x11: {  	[smem:$0x3FB5] =	sst s9;
	s0 =	simm.s32 @!p0 $0x0  }
0x12: {  	s1 =	sld [smem:$0x3F9B];
	s0 =	simm.s32 @p0 $0x1  }
0x13: {  	[smem:$0x3FB6] =	sst s0;
	s0 =	simm.s32 @!p1 $0x0  }
0x14: {  	s2 =	sld [smem:$0x3F9A];
	s0 =	simm.s32 @p1 $0x1  }
0x15: {  	[smem:$0x3FB7] =	sst s0;
	s0 =	simm.s32 @!p2 $0x0  }
0x16: {  	s3 =	sld [smem:$0x3FDB];
	s0 =	simm.s32 @p2 $0x1  }
0x17: {  	s4 =	simm.s32 $0x1BF5;
	[smem:$0x3FB9] =	sst s0  }
0x18: {  	s0 =	sld [smem:$0x3F9C];
	_ =	swait.ge [sflag:s4], $0x0  }
0x19: {  	s7 =	sld [smem:$0x3F9D]  }
0x1a: {  	s8 =	sadd.s32 $0xFFFFE003, lr  }
0x1b: {  	s9 =	sadd.s32 $0xFFFFFEF7, lr;
	s5 =	simm.s32 $0xFFFFFFFF;
	p2 =	slt.u32 s8, $0xFFFFF086  }
0x1c: {  	p1 =	slt.u32 s9, $0xF7A;
	s5 =	simm.s32 @!p2 $0x0  }
0x1d: {  	s5 =	simm.s32 @p1 $0x1;
	p0 =	seq.s32 s7, s2  }
0x1e: {  	s7 =	smul.u32 @!p0 $0xF7A, s2;
	p2 =	seq.s32 @!p0 s5, $0x0  }
0x1f: {  	s9 =	smul.u32 $0xF7A, s1;
	s8 =	simm.s32 @!p0 $0x1BF5;
	p2 =	por !p2, p0  }
0x20: {  	[sflag:s8] =	ssyncset.s32 @!p0 $0xFFFFF086;
	s6 =	sadd.s32 @!p0 s3, s7;
	s7 =	simm.s32 @!p0 $0x108  }
0x21: {  	s3 =	sadd.s32 s3, s9;
	s6 =	sadd.s32 @!p0 $0x88, s6;
	s7 =	simm.s32 @p2 $0x1082  }
0x22: {  	[simem:s7], [sflag:s8] =	dma.local @!p0 [hbm:s6], $0xF7A  }
0x23: {  	s9 =	sor.u32 $0xD0000000, s2;
	s6 =	simm.s32 $0x108;
	_ =	swait.ge @!p0 [sflag:s8], $0x0  }
0x24: {  	s3 =	sadd.s32 $0x88, s3;
	s6 =	simm.s32 @!p1 $0x1082;
	[sflag:s4] =	ssyncset.s32 $0xFFFFF086  }
0x25: {  	[simem:s6], [sflag:s4] =	dma.local [hbm:s3], $0xF7A  }
0x26: {  	[smem:$0x3F9D] =	sst s1;
	(tag) =	ssettag s2;
	_ =	strace s9  }
0x27: {  	s1 =	sld [smem:$0x3FAD]  }
0x28: {  	s2 =	sld [smem:$0x3FAE]  }
0x29: {  	s4 =	sld [smem:$0x3FB0]  }
0x2a: {  	p0 =	seq.s32 s5, $0x0;
	s5 =	sld [smem:$0x3FB1]  }
0x2b: {  	s6 =	sld [smem:$0x3FB2]  }
0x2c: {  	s7 =	sld [smem:$0x3FB3]  }
0x2d: {  	s3 =	simm.s32 $0x108;
	s8 =	sld [smem:$0x3FB4]  }
0x2e: {  	s3 =	simm.s32 @!p0 $0x1082;
	s9 =	sld [smem:$0x3FB5]  }
0x2f: {  	lr =	sadd.s32 s0, s3;
	s0 =	sld [smem:$0x3FAC]  }
0x30: {  	s3 =	sld [smem:$0x3FAF]  }
0x31: {  	[smem:$0x3FB8] =	sst s10  }
0x32: {  	s10 =	sld [smem:$0x3FB6];
	_ =	sdelay $0x3  }
0x33: {  	p0 =	seq.s32 s10, $0x1;
	s10 =	sld [smem:$0x3FB8];
	_ =	sdelay $0x3  }
0x34: {  	[smem:$0x3FB8] =	sst s10  }
0x35: {  	s10 =	sld [smem:$0x3FB7];
	_ =	sdelay $0x3  }
0x36: {  	p1 =	seq.s32 s10, $0x1;
	s10 =	sld [smem:$0x3FB8];
	_ =	sdelay $0x3  }
0x37: {  	[smem:$0x3FB8] =	sst s10  }
0x38: {  	s10 =	sld [smem:$0x3FB9]  }
0x39: {  	_ = 	snop;
	(pc) =	sbr.ind lr, $3  }
0x3a: {  	_ = 	snop  }
0x3b: {  	_ = 	snop  }
0x3c: {  	p2 =	seq.s32 s10, $0x1;
	s10 =	sld [smem:$0x3FB8]  }
0x3d: {  	_ =	shalt  }
0x3e: {  	_ =	shalt  }
0x3f: {  	_ =	shalt  }
0x40: {  	_ =	shalt  }
0x41: {  	_ =	shalt  }
0x42: {  	_ =	shalt  }
0x43: {  	_ =	shalt  }
0x44: {  	_ =	shalt  }
0x45: {  	_ =	shalt  }
0x46: {  	_ =	shalt  }
0x47: {  	_ =	shalt  }
0x48: {  	_ =	shalt  }
0x49: {  	_ =	shalt  }
0x4a: {  	_ =	shalt  }
0x4b: {  	_ =	shalt  }
0x4c: {  	_ =	shalt  }
0x4d: {  	_ =	shalt  }
0x4e: {  	_ =	shalt  }
0x4f: {  	_ =	shalt  }
0x50: {  	_ =	shalt  }
0x51: {  	_ =	shalt  }
0x52: {  	_ =	shalt  }
0x53: {  	_ =	shalt  }
0x54: {  	_ =	shalt  }
0x55: {  	_ =	shalt  }
0x56: {  	_ =	shalt  }
0x57: {  	_ =	shalt  }
0x58: {  	_ =	shalt  }
0x59: {  	_ =	shalt  }
0x5a: {  	_ =	shalt  }
0x5b: {  	_ =	shalt  }
0x5c: {  	_ =	shalt  }
0x5d: {  	_ =	shalt  }
0x5e: {  	_ =	shalt  }
0x5f: {  	_ =	shalt  }
0x60: {  	_ =	shalt  }
0x61: {  	_ =	shalt  }
0x62: {  	_ =	shalt  }
0x63: {  	_ =	shalt  }
0x64: {  	_ =	shalt  }
0x65: {  	_ =	shalt  }
0x66: {  	_ =	shalt  }
0x67: {  	_ =	shalt  }
0x68: {  	_ =	shalt  }
0x69: {  	_ =	shalt  }
0x6a: {  	_ =	shalt  }
0x6b: {  	_ =	shalt  }
0x6c: {  	_ =	shalt  }
0x6d: {  	_ =	shalt  }
0x6e: {  	_ =	shalt  }
0x6f: {  	_ =	shalt  }
0x70: {  	_ =	shalt  }
0x71: {  	_ =	shalt  }
0x72: {  	_ =	shalt  }
0x73: {  	_ =	shalt  }
0x74: {  	_ =	shalt  }
0x75: {  	_ =	shalt  }
0x76: {  	_ =	shalt  }
0x77: {  	_ =	shalt  }
0x78: {  	_ =	shalt  }
0x79: {  	_ =	shalt  }
0x7a: {  	_ =	shalt  }
0x7b: {  	_ =	shalt  }
0x7c: {  	_ =	shalt  }
0x7d: {  	_ =	shalt  }
0x7e: {  	_ =	shalt  }
0x7f: {  	_ =	shalt  }
0x80: {  	_ =	shalt  }
0x81: {  	_ =	shalt  }
0x82: {  	_ =	shalt  }
0x83: {  	_ =	shalt  }
0x84: {  	_ =	shalt  }
0x85: {  	_ =	shalt  }
0x86: {  	_ =	shalt  }
0x87: {  	_ =	shalt  }
.Lfunc_end0:
.L_simem_size_0:
called_computation.1_lowered:
.L_overlay_start_0:
0x88: {  	s2 =	sld [smem:$0x3FD9]  }
0x89: {  	s3 =	sld [smem:$0x3FFE];
	_ =	sdelay $0x1  }
0x8a: {  	s1 =	srdreg.scid  }
0x8b: {  	s0 =	sand.u32 $0x1, s1  }
0x8c: {  	s17 =	sshll.u32 s0, $0xA;
	s2 =	sadd.s32 s3, s2  }
0x8d: {  	s2 =	sadd.s32 s2, s17  }
0x8e: {  	[smem:$0x3FC4] =	sst s2  }
0x8f: {  	_ = 	snop  }
0x90: {  	s2 =	sld [smem:$0x3FD0];
	(tm) =	ssettm $0x1  }
0x91: {  	s18 =	sld [smem:$0x3FFB];
	_ =	sdelay $0x3  }
0x92: {  	_ =	strace s18  }
0x93: {  	s3 =	sld [smem:$0x3FFC];
	_ =	sdelay $0x3  }
0x94: {  	_ =	strace s3  }
0x95: {  	s3 =	sld [smem:$0x3FFD];
	_ =	sdelay $0x3  }
0x96: {  	_ =	strace s3  }
0x97: {  	_ =	strace $0x8FFFFFFF  }
0x98: {  	s19 =	sld [smem:$0x3FDB];
	_ =	sdelay $0x1  }
0x99: {  	s4 =	simm.s32 $_scs_section_size  }
0x9a: {  	s5 =	simm.s32 $_size__tile_overlayer_lowered;
	s6 =	simm.s32 $_tile_overlayer_lowered  }
0x9b: {  	s22 =	simm.s32 $0x1BFF;
	s21 =	sshll.u32 s6, $0x1;
	s3 =	sadd.s32 s4, s19  }
0x9c: {  	s7 =	simm.s32 $0x0;
	s20 =	sshll.u32 s5, $0x1;
	s5 =	sadd.s32 s21, s3  }
0x9d: {  	[timem:s7], [sflag:s22] =	dma.local [hbm:s5], s20  }
0x9e: {  	_ =	swait.ge [sflag:s22], s20  }
0x9f: {  	s4 =	ssub.s32 $0x0, s20;
	[sflag:s22] =	ssyncset.done $0x0  }
0xa0: {  	[sflag:s22] =	ssyncadd.s32 s4;
	_ =	sdelay $0x1  }
0xa1: {  	s23 =	simm.s32 $0x1B8B  }
0xa2: {  	_ =	swait.ge [sflag:s23], $0x1  }
0xa3: {  	[sflag:s23] =	ssyncset.done $0x0  }
0xa4: {  	s25 =	simm.s32 $0x1B8E;
	s24 =	sld [smem:$0x3FFE];
	[sflag:s23] =	ssyncadd.s32 $0xFFFFFFFF  }
0xa5: {  	s26 =	simm.s32 $execute0_lowered;
	[smem:$0x3FD2] =	sst s25  }
0xa6: {  	s5 =	sshll.u32 s26, $0x1;
	_ =	strace $0x80000049;
	[dreg:$0x1] =	wrdreg $0xFFFFFFFF  }
0xa7: {  	s28 =	simm.s32 $_size_execute0_lowered;
	s3 =	sadd.s32 s3, s5;
	[dreg:$0x0] =	wrdreg $0x0  }
0xa8: {  	s5 =	sshll.u32 s28, $0x1;
	[dreg:$0x2] =	wrdreg s3  }
0xa9: {  	[dreg:$0x3] =	wrdreg s5  }
0xaa: {  	[dreg:$0x4] =	wrdreg $0xC0  }
0xab: {  	_ =	task [dreg:s7], $0x5FFFF  }
0xac: {  	[dreg:$0x1] =	wrdreg $0xFFFFFFFF  }
0xad: {  	[dreg:$0x0] =	wrdreg $0x60  }
0xae: {  	[dreg:$0x2] =	wrdreg s24  }
0xaf: {  	[dreg:$0x3] =	wrdreg s2  }
0xb0: {  	[dreg:$0x4] =	wrdreg $0x9  }
0xb1: {  	_ =	task.clear_ibuf [dreg:s7], $0x5FFFF;
	_ =	strace $0x90000049  }
0xb2: {  	s29 =	simm.s32 $0x9;
	_ =	strace $0x8000004B  }
0xb3: {  	_ =	swait.ge [sflag:s29], $0x1  }
0xb4: {  	[sflag:s29] =	ssyncadd.s32 $0xFFFFFFFF  }
0xb5: {  	_ =	strace $0x9000004B  }
0xb6: {  	_ =	sfence  }
0xb7: {  	s30 =	sld [smem:$0x0];
	_ =	sdelay $0x2  }
0xb8: {  	s31 =	sshll.u32 s1, $0xD;
	s1 =	sshrl.u32 s1, $0x2  }
0xb9: {  	s3 =	sand.u32 $0x4000, s31;
	s1 =	sadd.s32 s1, s30  }
0xba: {  	s0 =	sor.u32 s3, s0;
	s1 =	sshll.u32 s1, $0x11  }
0xbb: {  	s0 =	sor.u32 s1, s0  }
0xbc: {  	s0 =	sadd.s32 $0x8F2B, s0  }
0xbd: {  	[sflag:s0] =	ssyncadd.remote.s32 $0x1  }
0xbe: {  	_ =	sfence.sel $0xFFFF  }
0xbf: {  	[dreg:$0x0] =	wrdreg $0xFFFFFFFF;
	(pc) =	sbr.abs _section_cstart, $3  }
0xc0: {  	[dreg:$0x1] =	wrdreg $0xFFFFFFFF  }
0xc1: {  	_ =	task.clear_ibuf [dreg:s7], $0x2FFFF;
	_ =	strace $0x9FFFFFFF  }
0xc2: {  	(tm) =	ssettm $0x7FFFFFFF  }
0xc3: {  	_ =	shalt  }
tec
execute0_lowered:
.L_overlay_start_1:
0x0: {  	(tag) =	ssettag $0x1  }
0x1: {  	s0 =	rddreg [dreg:$0x0]  }
0x2: {  	s1 =	rddreg [dreg:$0x1];
	s2 =	simm.s32 $0x0;
	s3 =	srdreg.scid  }
0x3: {  	s4 =	stileid.u32;
	s9 =	simm.s32 $0x2;
	s19 =	simm.s32 $0x1  }
0x4: {  	s21 =	simm.s32 $0x900;
	s22 =	simm.s32 $0x1100;
	s23 =	simm.s32 $0x1900  }
0x5: {  	s28 =	simm.s32 $0x3900;
	s29 =	simm.s32 $0x4100;
	s30 =	simm.s32 $0x4900  }
0x6: {  	s31 =	simm.s32 $0x5100;
	s11 =	simm.s32 $0x6900;
	s12 =	simm.s32 $0x7100  }
0x7: {  	s13 =	simm.s32 $0x7900;
	s14 =	simm.s32 $0x8900;
	s15 =	simm.s32 $0x9100  }
0x8: {  	s16 =	simm.s32 $0x9900;
	s17 =	simm.s32 $0xA100;
	s18 =	simm.s32 $0xA900  }
0x9: {  	s10 =	simm.s32 $0xB100;
	[smem:$0x7FF] =	sst s2;
	s3 =	sand.u32 $0x1, s3  }
0xa: {  	s4 =	sshll.u32 s4, $0x1;
	_ =	strace $0x8000004A;
	s5 =	ssub.s32 $0x2, s3  }
0xb: {  	s4 =	sor.u32 s3, s4;
	s3 =	sadd.s32 $0x200, s0;
	s6 =	sshrl.u32 s5, $0x1  }
0xc: {  	s7 =	sshll.u32 s4, $0x4;
	s25 =	sshll.u32 s4, $0xE;
	s4 =	sadd.s32 $0x300, s0  }
0xd: {  	s5 =	ssub.s32 s5, s6;
	s24 =	sadd.s32 s0, s7;
	s1 =	sadd.s32 s1, s25  }
0xe: {  	s6 =	sadd.s32 $0x400, s0;
	s7 =	sadd.s32 $0x500, s0;
	[dreg:$0x3] =	wrdreg s24  }
0xf: {  	v2 =	vlaneseq.u32;
	s0 =	simm.s32 $0x100;
	s25 =	simm.s32 $0x2900;
	[dreg:$0x5] =	wrdreg s1  }
0x10: {  	vm0 =	vmmov $0xffff;
	v1 =	vshrl.u32 v2, $0x3;
	s26 =	sadd.s32 $0x2000, s1;
	s8 =	smax.u32 s5, $0x1;
	s24 =	simm.s32 $0x2100  }
0x11: {  	v0 =	vand.u32 $0x7, v2;
	v2 =	vor.u32 $0x8, v2;
	v1 =	vmul.u32 $0x8, v1;
	s5 =	simm.s32 $0x8100;
	[dreg:$0x4] =	wrdreg s26;
	s26 =	simm.s32 $0x3100  }
.LBB2_1:
0x12: {  	s20 =	rddreg [dreg:$0x3]  }
0x13: {  	[tilespmem:s2], [sflag:$0x2] =	stream.linear.gather [hbm4b:s20+s2], $0x80, $0x38;
	[tilespmem:$0x10100] =	vst v63  }
0x14: {  	_ =	swait.ge [sflag:s9], $0x80  }
0x15: {  	[sflag:s9] =	ssyncset.done $0x0  }
0x16: {  	[sflag:s9] =	ssyncadd.s32 $0xFFFFFF80  }
0x17: {  	v3 =	vld [tilespmem:$0x0];
	_ =	sdelay $0x4  }
0x18: {  	v4 =	vshll.u32 v3, $0x3  }
0x19: {  	v5 =	vand.u32 $0x7, v3;
	v4 =	vand.u32 $0xFFFFFFC0, v4  }
0x1a: {  	v6 =	vld [tilespmem:$0x10];
	v4 =	vor.u32 v5, v4  }
0x1b: {  	v51 =	vld [tilespmem:$0x20];
	v7 =	vperm.xlane v4, v0  }
0x1c: {  	v8 =	vld [tilespmem:$0x30]  }
0x1d: {  	v7 =	vadd.s32 v1, v7  }
0x1e: {  	[tilespmem:$0x80] =	vst v3  }
0x1f: {  	[tilespmem:$0x90] =	vst v6  }
0x20: {  	[tilespmem:$0xA0] =	vst v51  }
0x21: {  	[tilespmem:$0xB0] =	vst v8  }
0x22: {  	[tilespmem:s0], [sflag:$0x1] =	stream.indirect_vreg.gather [hbm4b:s3+s2], $0x80, v7, vm0, $0xb8;
	[tilespmem:$0x10100] =	vst v63  }
0x23: {  	v3 =	vperm.xlane v4, v2  }
0x24: {  	[tilespmem:s21], [sflag:$0x1] =	stream.indirect_vreg.gather [hbm4b:s4+s2], $0x80, v7, vm0, $0xb8;
	[tilespmem:$0x10100] =	vst v63  }
0x25: {  	v3 =	vadd.s32 v1, v3  }
0x26: {  	[tilespmem:s22], [sflag:$0x1] =	stream.indirect_vreg.gather [hbm4b:s6+s2], $0x80, v7, vm0, $0xb8;
	[tilespmem:$0x10100] =	vst v63  }
0x27: {  	_ = 	snop  }
0x28: {  	[tilespmem:s23], [sflag:$0x1] =	stream.indirect_vreg.gather [hbm4b:s7+s2], $0x80, v7, vm0, $0xb8;
	[tilespmem:$0x10100] =	vst v63  }
0x29: {  	_ = 	snop  }
0x2a: {  	[tilespmem:s24], [sflag:$0x1] =	stream.indirect_vreg.gather [hbm4b:s3+s2], $0x80, v3, vm0, $0xb8;
	[tilespmem:$0x10100] =	vst v63  }
0x2b: {  	_ = 	snop  }
0x2c: {  	[tilespmem:s25], [sflag:$0x1] =	stream.indirect_vreg.gather [hbm4b:s4+s2], $0x80, v3, vm0, $0xb8;
	[tilespmem:$0x10100] =	vst v63  }
0x2d: {  	_ = 	snop  }
0x2e: {  	[tilespmem:s26], [sflag:$0x1] =	stream.indirect_vreg.gather [hbm4b:s6+s2], $0x80, v3, vm0, $0xb8;
	[tilespmem:$0x10100] =	vst v63  }
0x2f: {  	_ = 	snop  }
0x30: {  	[tilespmem:s28], [sflag:$0x1] =	stream.indirect_vreg.gather [hbm4b:s7+s2], $0x80, v3, vm0, $0xb8;
	[tilespmem:$0x10100] =	vst v63  }
0x31: {  	v3 =	vld [tilespmem:$0x90];
	_ =	sdelay $0x4  }
0x32: {  	v52 =	vshll.u32 v3, $0x3  }
0x33: {  	v3 =	vand.u32 $0x7, v3;
	v4 =	vand.u32 $0xFFFFFFC0, v52  }
0x34: {  	v3 =	vor.u32 v3, v4  }
0x35: {  	v4 =	vperm.xlane v3, v0;
	_ =	sdelay $0x1  }
0x36: {  	v4 =	vadd.s32 v1, v4;
	_ =	sdelay $0x4  }
0x37: {  	[tilespmem:s29], [sflag:$0x1] =	stream.indirect_vreg.gather [hbm4b:s3+s2], $0x80, v4, vm0, $0xb8;
	[tilespmem:$0x10100] =	vst v63  }
0x38: {  	v3 =	vperm.xlane v3, v2  }
0x39: {  	[tilespmem:s30], [sflag:$0x1] =	stream.indirect_vreg.gather [hbm4b:s4+s2], $0x80, v4, vm0, $0xb8;
	[tilespmem:$0x10100] =	vst v63  }
0x3a: {  	v3 =	vadd.s32 v1, v3  }
0x3b: {  	[tilespmem:s31], [sflag:$0x1] =	stream.indirect_vreg.gather [hbm4b:s6+s2], $0x80, v4, vm0, $0xb8;
	[tilespmem:$0x10100] =	vst v63  }
0x3c: {  	s1 =	simm.s32 $0x5900  }
0x3d: {  	[tilespmem:s1], [sflag:$0x1] =	stream.indirect_vreg.gather [hbm4b:s7+s2], $0x80, v4, vm0, $0xb8;
	[tilespmem:$0x10100] =	vst v63  }
0x3e: {  	s1 =	simm.s32 $0x6100  }
0x3f: {  	[tilespmem:s1], [sflag:$0x1] =	stream.indirect_vreg.gather [hbm4b:s3+s2], $0x80, v3, vm0, $0xb8;
	[tilespmem:$0x10100] =	vst v63  }
0x40: {  	_ = 	snop  }
0x41: {  	[tilespmem:s11], [sflag:$0x1] =	stream.indirect_vreg.gather [hbm4b:s4+s2], $0x80, v3, vm0, $0xb8;
	[tilespmem:$0x10100] =	vst v63  }
0x42: {  	_ = 	snop  }
0x43: {  	[tilespmem:s12], [sflag:$0x1] =	stream.indirect_vreg.gather [hbm4b:s6+s2], $0x80, v3, vm0, $0xb8;
	[tilespmem:$0x10100] =	vst v63  }
0x44: {  	_ = 	snop  }
0x45: {  	[tilespmem:s13], [sflag:$0x1] =	stream.indirect_vreg.gather [hbm4b:s7+s2], $0x80, v3, vm0, $0xb8;
	[tilespmem:$0x10100] =	vst v63  }
0x46: {  	v3 =	vld [tilespmem:$0xA0];
	_ =	sdelay $0x4  }
0x47: {  	v53 =	vshll.u32 v3, $0x3  }
0x48: {  	v3 =	vand.u32 $0x7, v3;
	v4 =	vand.u32 $0xFFFFFFC0, v53  }
0x49: {  	v3 =	vor.u32 v3, v4  }
0x4a: {  	v4 =	vperm.xlane v3, v0;
	_ =	sdelay $0x1  }
0x4b: {  	v4 =	vadd.s32 v1, v4;
	_ =	sdelay $0x4  }
0x4c: {  	[tilespmem:s5], [sflag:$0x1] =	stream.indirect_vreg.gather [hbm4b:s3+s2], $0x80, v4, vm0, $0xb8;
	[tilespmem:$0x10100] =	vst v63  }
0x4d: {  	v3 =	vperm.xlane v3, v2  }
0x4e: {  	[tilespmem:s14], [sflag:$0x1] =	stream.indirect_vreg.gather [hbm4b:s4+s2], $0x80, v4, vm0, $0xb8;
	[tilespmem:$0x10100] =	vst v63  }
0x4f: {  	v3 =	vadd.s32 v1, v3  }
0x50: {  	[tilespmem:s15], [sflag:$0x1] =	stream.indirect_vreg.gather [hbm4b:s6+s2], $0x80, v4, vm0, $0xb8;
	[tilespmem:$0x10100] =	vst v63  }
0x51: {  	_ = 	snop  }
0x52: {  	[tilespmem:s16], [sflag:$0x1] =	stream.indirect_vreg.gather [hbm4b:s7+s2], $0x80, v4, vm0, $0xb8;
	[tilespmem:$0x10100] =	vst v63  }
0x53: {  	_ = 	snop  }
0x54: {  	[tilespmem:s17], [sflag:$0x1] =	stream.indirect_vreg.gather [hbm4b:s3+s2], $0x80, v3, vm0, $0xb8;
	[tilespmem:$0x10100] =	vst v63  }
0x55: {  	_ = 	snop  }
0x56: {  	[tilespmem:s18], [sflag:$0x1] =	stream.indirect_vreg.gather [hbm4b:s4+s2], $0x80, v3, vm0, $0xb8;
	[tilespmem:$0x10100] =	vst v63  }
0x57: {  	_ = 	snop  }
0x58: {  	[tilespmem:s10], [sflag:$0x1] =	stream.indirect_vreg.gather [hbm4b:s6+s2], $0x80, v3, vm0, $0xb8;
	[tilespmem:$0x10100] =	vst v63  }
0x59: {  	s20 =	simm.s32 $0xB900  }
0x5a: {  	[tilespmem:s20], [sflag:$0x1] =	stream.indirect_vreg.gather [hbm4b:s7+s2], $0x80, v3, vm0, $0xb8;
	[tilespmem:$0x10100] =	vst v63  }
0x5b: {  	v3 =	vld [tilespmem:$0xB0];
	_ =	sdelay $0x4  }
0x5c: {  	v54 =	vshll.u32 v3, $0x3  }
0x5d: {  	v3 =	vand.u32 $0x7, v3;
	v4 =	vand.u32 $0xFFFFFFC0, v54  }
0x5e: {  	v3 =	vor.u32 v3, v4  }
0x5f: {  	v4 =	vperm.xlane v3, v0;
	_ =	sdelay $0x1  }
0x60: {  	v4 =	vadd.s32 v1, v4;
	_ =	sdelay $0x3  }
0x61: {  	s20 =	simm.s32 $0xC100  }
0x62: {  	[tilespmem:s20], [sflag:$0x1] =	stream.indirect_vreg.gather [hbm4b:s3+s2], $0x80, v4, vm0, $0xb8;
	[tilespmem:$0x10100] =	vst v63  }
0x63: {  	v3 =	vperm.xlane v3, v2;
	s20 =	simm.s32 $0xC900  }
0x64: {  	[tilespmem:s20], [sflag:$0x1] =	stream.indirect_vreg.gather [hbm4b:s4+s2], $0x80, v4, vm0, $0xb8;
	[tilespmem:$0x10100] =	vst v63  }
0x65: {  	v3 =	vadd.s32 v1, v3;
	s20 =	simm.s32 $0xD100  }
0x66: {  	[tilespmem:s20], [sflag:$0x1] =	stream.indirect_vreg.gather [hbm4b:s6+s2], $0x80, v4, vm0, $0xb8;
	[tilespmem:$0x10100] =	vst v63  }
0x67: {  	s20 =	simm.s32 $0xD900  }
0x68: {  	[tilespmem:s20], [sflag:$0x1] =	stream.indirect_vreg.gather [hbm4b:s7+s2], $0x80, v4, vm0, $0xb8;
	[tilespmem:$0x10100] =	vst v63  }
0x69: {  	s20 =	simm.s32 $0xE100  }
0x6a: {  	[tilespmem:s20], [sflag:$0x1] =	stream.indirect_vreg.gather [hbm4b:s3+s2], $0x80, v3, vm0, $0xb8;
	[tilespmem:$0x10100] =	vst v63  }
0x6b: {  	s20 =	simm.s32 $0xE900  }
0x6c: {  	[tilespmem:s20], [sflag:$0x1] =	stream.indirect_vreg.gather [hbm4b:s4+s2], $0x80, v3, vm0, $0xb8;
	[tilespmem:$0x10100] =	vst v63  }
0x6d: {  	s20 =	simm.s32 $0xF100  }
0x6e: {  	[tilespmem:s20], [sflag:$0x1] =	stream.indirect_vreg.gather [hbm4b:s6+s2], $0x80, v3, vm0, $0xb8;
	[tilespmem:$0x10100] =	vst v63  }
0x6f: {  	s20 =	simm.s32 $0xF900  }
0x70: {  	[tilespmem:s20], [sflag:$0x1] =	stream.indirect_vreg.gather [hbm4b:s7+s2], $0x80, v3, vm0, $0xb8;
	[tilespmem:$0x10100] =	vst v63  }
0x71: {  	_ =	swait.ge [sflag:s19], $0x10000  }
0x72: {  	[sflag:s19] =	ssyncset.done $0x0  }
0x73: {  	s20 =	rddreg [dreg:$0x5];
	[sflag:s19] =	ssyncadd.s32 $0xFFFF0000  }
0x74: {  	[hbm4b:s20+s2] =	stream.linear.scatter [tilespmem:s0], [sflag:$0x2], $0x10000, $0x38;
	[tilespmem:$0x10100] =	vst v63  }
0x75: {  	_ =	swait.ge [sflag:s9], $0x10000  }
0x76: {  	[sflag:s9] =	ssyncset.done $0x0  }
0x77: {  	[sflag:s9] =	ssyncadd.s32 $0xFFFF0000  }
0x78: {  	v3 =	vld [tilespmem:$0x40];
	_ =	sdelay $0x4  }
0x79: {  	v55 =	vshll.u32 v3, $0x3  }
0x7a: {  	v56 =	vand.u32 $0x7, v3;
	v4 =	vand.u32 $0xFFFFFFC0, v55  }
0x7b: {  	v57 =	vld [tilespmem:$0x50];
	v4 =	vor.u32 v56, v4  }
0x7c: {  	v58 =	vld [tilespmem:$0x60];
	v59 =	vperm.xlane v4, v0  }
0x7d: {  	v60 =	vld [tilespmem:$0x70]  }
0x7e: {  	v7 =	vadd.s32 v1, v59  }
0x7f: {  	[tilespmem:$0x80] =	vst v3  }
0x80: {  	[tilespmem:$0x90] =	vst v57  }
0x81: {  	[tilespmem:$0xA0] =	vst v58  }
0x82: {  	[tilespmem:$0xB0] =	vst v60  }
0x83: {  	[tilespmem:s0], [sflag:$0x1] =	stream.indirect_vreg.gather [hbm4b:s3+s2], $0x80, v7, vm0, $0xb8;
	[tilespmem:$0x10100] =	vst v63  }
0x84: {  	v3 =	vperm.xlane v4, v2  }
0x85: {  	[tilespmem:s21], [sflag:$0x1] =	stream.indirect_vreg.gather [hbm4b:s4+s2], $0x80, v7, vm0, $0xb8;
	[tilespmem:$0x10100] =	vst v63  }
0x86: {  	v3 =	vadd.s32 v1, v3  }
0x87: {  	[tilespmem:s22], [sflag:$0x1] =	stream.indirect_vreg.gather [hbm4b:s6+s2], $0x80, v7, vm0, $0xb8;
	[tilespmem:$0x10100] =	vst v63  }
0x88: {  	_ = 	snop  }
0x89: {  	[tilespmem:s23], [sflag:$0x1] =	stream.indirect_vreg.gather [hbm4b:s7+s2], $0x80, v7, vm0, $0xb8;
	[tilespmem:$0x10100] =	vst v63  }
0x8a: {  	_ = 	snop  }
0x8b: {  	[tilespmem:s24], [sflag:$0x1] =	stream.indirect_vreg.gather [hbm4b:s3+s2], $0x80, v3, vm0, $0xb8;
	[tilespmem:$0x10100] =	vst v63  }
0x8c: {  	_ = 	snop  }
0x8d: {  	[tilespmem:s25], [sflag:$0x1] =	stream.indirect_vreg.gather [hbm4b:s4+s2], $0x80, v3, vm0, $0xb8;
	[tilespmem:$0x10100] =	vst v63  }
0x8e: {  	_ = 	snop  }
0x8f: {  	[tilespmem:s26], [sflag:$0x1] =	stream.indirect_vreg.gather [hbm4b:s6+s2], $0x80, v3, vm0, $0xb8;
	[tilespmem:$0x10100] =	vst v63  }
0x90: {  	_ = 	snop  }
0x91: {  	[tilespmem:s28], [sflag:$0x1] =	stream.indirect_vreg.gather [hbm4b:s7+s2], $0x80, v3, vm0, $0xb8;
	[tilespmem:$0x10100] =	vst v63  }
0x92: {  	v3 =	vld [tilespmem:$0x90];
	_ =	sdelay $0x4  }
0x93: {  	v61 =	vshll.u32 v3, $0x3  }
0x94: {  	v3 =	vand.u32 $0x7, v3;
	v4 =	vand.u32 $0xFFFFFFC0, v61  }
0x95: {  	v3 =	vor.u32 v3, v4  }
0x96: {  	v4 =	vperm.xlane v3, v0;
	_ =	sdelay $0x1  }
0x97: {  	v4 =	vadd.s32 v1, v4;
	_ =	sdelay $0x4  }
0x98: {  	[tilespmem:s29], [sflag:$0x1] =	stream.indirect_vreg.gather [hbm4b:s3+s2], $0x80, v4, vm0, $0xb8;
	[tilespmem:$0x10100] =	vst v63  }
0x99: {  	v3 =	vperm.xlane v3, v2  }
0x9a: {  	[tilespmem:s30], [sflag:$0x1] =	stream.indirect_vreg.gather [hbm4b:s4+s2], $0x80, v4, vm0, $0xb8;
	[tilespmem:$0x10100] =	vst v63  }
0x9b: {  	v3 =	vadd.s32 v1, v3  }
0x9c: {  	[tilespmem:s31], [sflag:$0x1] =	stream.indirect_vreg.gather [hbm4b:s6+s2], $0x80, v4, vm0, $0xb8;
	[tilespmem:$0x10100] =	vst v63  }
0x9d: {  	s20 =	simm.s32 $0x5900  }
0x9e: {  	[tilespmem:s20], [sflag:$0x1] =	stream.indirect_vreg.gather [hbm4b:s7+s2], $0x80, v4, vm0, $0xb8;
	[tilespmem:$0x10100] =	vst v63  }
0x9f: {  	_ = 	snop  }
0xa0: {  	[tilespmem:s1], [sflag:$0x1] =	stream.indirect_vreg.gather [hbm4b:s3+s2], $0x80, v3, vm0, $0xb8;
	[tilespmem:$0x10100] =	vst v63  }
0xa1: {  	_ = 	snop  }
0xa2: {  	[tilespmem:s11], [sflag:$0x1] =	stream.indirect_vreg.gather [hbm4b:s4+s2], $0x80, v3, vm0, $0xb8;
	[tilespmem:$0x10100] =	vst v63  }
0xa3: {  	_ = 	snop  }
0xa4: {  	[tilespmem:s12], [sflag:$0x1] =	stream.indirect_vreg.gather [hbm4b:s6+s2], $0x80, v3, vm0, $0xb8;
	[tilespmem:$0x10100] =	vst v63  }
0xa5: {  	_ = 	snop  }
0xa6: {  	[tilespmem:s13], [sflag:$0x1] =	stream.indirect_vreg.gather [hbm4b:s7+s2], $0x80, v3, vm0, $0xb8;
	[tilespmem:$0x10100] =	vst v63  }
0xa7: {  	v3 =	vld [tilespmem:$0xA0];
	_ =	sdelay $0x4  }
0xa8: {  	v62 =	vshll.u32 v3, $0x3  }
0xa9: {  	v3 =	vand.u32 $0x7, v3;
	v4 =	vand.u32 $0xFFFFFFC0, v62  }
0xaa: {  	v3 =	vor.u32 v3, v4  }
0xab: {  	v4 =	vperm.xlane v3, v0;
	_ =	sdelay $0x1  }
0xac: {  	v4 =	vadd.s32 v1, v4;
	_ =	sdelay $0x4  }
0xad: {  	[tilespmem:s5], [sflag:$0x1] =	stream.indirect_vreg.gather [hbm4b:s3+s2], $0x80, v4, vm0, $0xb8;
	[tilespmem:$0x10100] =	vst v63  }
0xae: {  	v3 =	vperm.xlane v3, v2  }
0xaf: {  	[tilespmem:s14], [sflag:$0x1] =	stream.indirect_vreg.gather [hbm4b:s4+s2], $0x80, v4, vm0, $0xb8;
	[tilespmem:$0x10100] =	vst v63  }
0xb0: {  	v3 =	vadd.s32 v1, v3  }
0xb1: {  	[tilespmem:s15], [sflag:$0x1] =	stream.indirect_vreg.gather [hbm4b:s6+s2], $0x80, v4, vm0, $0xb8;
	[tilespmem:$0x10100] =	vst v63  }
0xb2: {  	_ = 	snop  }
0xb3: {  	[tilespmem:s16], [sflag:$0x1] =	stream.indirect_vreg.gather [hbm4b:s7+s2], $0x80, v4, vm0, $0xb8;
	[tilespmem:$0x10100] =	vst v63  }
0xb4: {  	_ = 	snop  }
0xb5: {  	[tilespmem:s17], [sflag:$0x1] =	stream.indirect_vreg.gather [hbm4b:s3+s2], $0x80, v3, vm0, $0xb8;
	[tilespmem:$0x10100] =	vst v63  }
0xb6: {  	_ = 	snop  }
0xb7: {  	[tilespmem:s18], [sflag:$0x1] =	stream.indirect_vreg.gather [hbm4b:s4+s2], $0x80, v3, vm0, $0xb8;
	[tilespmem:$0x10100] =	vst v63  }
0xb8: {  	_ = 	snop  }
0xb9: {  	[tilespmem:s10], [sflag:$0x1] =	stream.indirect_vreg.gather [hbm4b:s6+s2], $0x80, v3, vm0, $0xb8;
	[tilespmem:$0x10100] =	vst v63  }
0xba: {  	s20 =	simm.s32 $0xB900  }
0xbb: {  	[tilespmem:s20], [sflag:$0x1] =	stream.indirect_vreg.gather [hbm4b:s7+s2], $0x80, v3, vm0, $0xb8;
	[tilespmem:$0x10100] =	vst v63  }
0xbc: {  	v3 =	vld [tilespmem:$0xB0];
	_ =	sdelay $0x4  }
0xbd: {  	v63 =	vshll.u32 v3, $0x3  }
0xbe: {  	v3 =	vand.u32 $0x7, v3;
	v4 =	vand.u32 $0xFFFFFFC0, v63  }
0xbf: {  	v3 =	vor.u32 v3, v4  }
0xc0: {  	v4 =	vperm.xlane v3, v0;
	_ =	sdelay $0x1  }
0xc1: {  	v4 =	vadd.s32 v1, v4;
	_ =	sdelay $0x3  }
0xc2: {  	s20 =	simm.s32 $0xC100  }
0xc3: {  	[tilespmem:s20], [sflag:$0x1] =	stream.indirect_vreg.gather [hbm4b:s3+s2], $0x80, v4, vm0, $0xb8;
	[tilespmem:$0x10100] =	vst v63  }
0xc4: {  	v3 =	vperm.xlane v3, v2;
	s20 =	simm.s32 $0xC900  }
0xc5: {  	[tilespmem:s20], [sflag:$0x1] =	stream.indirect_vreg.gather [hbm4b:s4+s2], $0x80, v4, vm0, $0xb8;
	[tilespmem:$0x10100] =	vst v63  }
0xc6: {  	v3 =	vadd.s32 v1, v3;
	s20 =	simm.s32 $0xD100  }
0xc7: {  	[tilespmem:s20], [sflag:$0x1] =	stream.indirect_vreg.gather [hbm4b:s6+s2], $0x80, v4, vm0, $0xb8;
	[tilespmem:$0x10100] =	vst v63  }
0xc8: {  	s20 =	simm.s32 $0xD900  }
0xc9: {  	[tilespmem:s20], [sflag:$0x1] =	stream.indirect_vreg.gather [hbm4b:s7+s2], $0x80, v4, vm0, $0xb8;
	[tilespmem:$0x10100] =	vst v63  }
0xca: {  	s20 =	simm.s32 $0xE100  }
0xcb: {  	[tilespmem:s20], [sflag:$0x1] =	stream.indirect_vreg.gather [hbm4b:s3+s2], $0x80, v3, vm0, $0xb8;
	[tilespmem:$0x10100] =	vst v63  }
0xcc: {  	s20 =	simm.s32 $0xE900  }
0xcd: {  	[tilespmem:s20], [sflag:$0x1] =	stream.indirect_vreg.gather [hbm4b:s4+s2], $0x80, v3, vm0, $0xb8;
	[tilespmem:$0x10100] =	vst v63  }
0xce: {  	s20 =	simm.s32 $0xF100  }
0xcf: {  	[tilespmem:s20], [sflag:$0x1] =	stream.indirect_vreg.gather [hbm4b:s6+s2], $0x80, v3, vm0, $0xb8;
	[tilespmem:$0x10100] =	vst v63  }
0xd0: {  	s20 =	simm.s32 $0xF900  }
0xd1: {  	[tilespmem:s20], [sflag:$0x1] =	stream.indirect_vreg.gather [hbm4b:s7+s2], $0x80, v3, vm0, $0xb8;
	[tilespmem:$0x10100] =	vst v63  }
0xd2: {  	_ =	swait.ge [sflag:s19], $0x10000  }
0xd3: {  	p0 =	sne.s32 s8, $0x1;
	[sflag:s19] =	ssyncset.done $0x0  }
.Ltmp0:
0xd4: {  	s1 =	rddreg [dreg:$0x4];
	[sflag:s19] =	ssyncadd.s32 $0xFFFF0000;
	(pc) =	sbr.rel @p0 .LBB2_1-.Ltmp0, $4  }
0xd5: {  	[hbm4b:s1+s2] =	stream.linear.scatter [tilespmem:s0], [sflag:$0x2], $0x10000, $0x38;
	[tilespmem:$0x10100] =	vst v63  }
0xd6: {  	_ =	swait.ge [sflag:s9], $0x10000  }
0xd7: {  	[sflag:s9] =	ssyncset.done $0x0  }
0xd8: {  	s8 =	sadd.s32 $0xFFFFFFFF, s8;
	[sflag:s9] =	ssyncadd.s32 $0xFFFF0000  }
0xd9: {  	_ =	sfence.sel $0x180000  }
0xda: {  	[bflag:$0x0] =	sbarrier.arrive $0xFFFF  }
0xdb: {  	_ =	strace $0x9000004A  }
0xdc: {  	s0 =	stileid.u32;
	[bflag:$0x2] =	sbarrier.arrive $0xFFFF  }
0xdd: {  	p0 =	sne.s32 s0, $0x0;
	s0 =	rddreg [dreg:$0x2]  }
0xde: {  	s0 =	sadd.s32 @!p0 $0x100000, s0  }
0xdf: {  	[sflag:s0] =	ssyncadd.tile.s32 @!p0 $0x1;
	_ =	shalt  }
.Lfunc_end2:
_tile_overlayer_lowered:
.L_overlay_start_2:
0xe0: {  	(tag) =	ssettag $0x2  }
0xe1: {  	s0 =	rddreg [dreg:$0x0];
	s2 =	stileid.u32  }
0xe2: {  	s1 =	rddreg [dreg:$0x1];
	p0 =	sne.s32 s2, $0x0  }
0xe3: {  	s3 =	rddreg [dreg:$0x2];
	[bflag:$0x3] =	sbarrier.arrive $0xFFFF;
	s2 =	simm.s32 @!p0 $0x1C02  }
0xe4: {  	[timem:s3], [sflag:s2] =	dma.local @!p0 [hbm:s0], s1  }
0xe5: {  	s0 =	simm.s32 @!p0 $0x2  }
0xe6: {  	_ =	swait.ge @!p0 [sflag:s0], s1  }
0xe7: {  	s1 =	ssub.s32 @!p0 $0x0, s1;
	[sflag:s0] =	ssyncset.done @!p0 $0x0  }
0xe8: {  	[sflag:s0] =	ssyncadd.s32 @!p0 s1  }
0xe9: {  	[bflag:$0x3] =	sbarrier.arrive $0xFFFF  }
0xea: {  	_ =	shalt  }

</sc_bundles>
